<compile_context>
chip_gen: v7x
topology: tpu7x:2x2x1
jax: 0.10.2.dev20260603
libtpu: 0.0.44.dev20260713+nightly
codegen_flags: <defaults>
</compile_context>

<pallas_src>
import jax
import jax.numpy as jnp
from jax import lax
from jax.experimental import pallas as pl
from jax.experimental.pallas import tpu as pltpu
from jax.experimental.pallas import tpu_sc as plsc

NC, NS = 2, 16
NW = NC * NS
T_SPLIT = 4096
SC_CHUNKS = (48, 48, 32)
SC_BUF_ROWS = max(SC_CHUNKS)

T_BLK = 2048
NBUF = 2


def _sc_body(table_hbm, out_hbm, buf):
    wid = lax.axis_index("s") * NC + lax.axis_index("c")
    rows_per_w = (table_hbm.shape[0] - T_SPLIT) // NW
    base = T_SPLIT + wid * rows_per_w

    off = 0
    for c in SC_CHUNKS:
        row = base + off
        pltpu.sync_copy(table_hbm.at[pl.ds(row, c)], buf.at[pl.ds(0, c)])
        for b in range(4):
            pltpu.sync_copy(buf.at[pl.ds(0, c)], out_hbm.at[b, pl.ds(row, c)])
        off += c


def _tc_body(w_hbm, prev_hbm, o_hbm, buf, rsem, wsem):
    n = T_SPLIT // T_BLK

    def rd(i, s):
        return pltpu.make_async_copy(
            w_hbm.at[pl.ds(i * T_BLK, T_BLK)], buf.at[s], rsem.at[s]
        )

    def wr(b, i, s):
        return pltpu.make_async_copy(
            buf.at[s], o_hbm.at[b, pl.ds(i * T_BLK, T_BLK)], wsem.at[s]
        )

    for s in range(NBUF):
        rd(s, s).start()

    def step(g, carry):
        for s in range(NBUF):
            i = g * NBUF + s
            rd(i, s).wait()
            for b in range(4):
                wr(b, i, s).start()
        for s in range(NBUF):
            i = g * NBUF + s
            for b in range(4):
                wr(b, i, s).wait()
            nxt = i + NBUF

            @pl.when(nxt < n)
            def _():
                rd(nxt, s).start()

        return carry

    lax.fori_loop(0, n // NBUF, step, 0)


def kernel(B, T, pos_weight):
    t_static, d = pos_weight.shape

    sc_run = pl.kernel(
        _sc_body,
        out_type=jax.ShapeDtypeStruct((4, t_static, d), pos_weight.dtype),
        mesh=plsc.VectorSubcoreMesh(core_axis_name="c", subcore_axis_name="s"),
        scratch_types=[
            pltpu.VMEM((SC_BUF_ROWS, d), jnp.float32),
        ],
    )
    partial = sc_run(pos_weight)

    out = pl.pallas_call(
        _tc_body,
        in_specs=[
            pl.BlockSpec(memory_space=pltpu.MemorySpace.HBM),
            pl.BlockSpec(memory_space=pltpu.MemorySpace.HBM),
        ],
        out_specs=pl.BlockSpec(memory_space=pltpu.MemorySpace.HBM),
        out_shape=jax.ShapeDtypeStruct((4, t_static, d), pos_weight.dtype),
        input_output_aliases={1: 0},
        scratch_shapes=[
            pltpu.VMEM((NBUF, T_BLK, d), jnp.float32),
            pltpu.SemaphoreType.DMA((NBUF,)),
            pltpu.SemaphoreType.DMA((NBUF,)),
        ],
    )(pos_weight, partial)
    return out

# --- scband reference (transcript-rebuilt; emitter-appended) ---
"""Pipeline reference for scband-gptpositional-embedding-58540404244514 (READ-ONLY COPY).

The authoritative reference and input builder live on the scoring server;
editing this copy changes nothing except your own understanding.
"""

import jax, jax.numpy as jnp
import numpy as np

D_MODEL = 2048
MAX_LEN = 8192

def setup_inputs(seed: int = 0) -> dict:
    key = jax.random.key(seed)
    pos_weight = jax.random.normal(key, (MAX_LEN, D_MODEL), dtype=jnp.float32) * 0.01
    return {"B": 4, "T": 8192, "pos_weight": pos_weight}

def reference(B, T, pos_weight):
    t_static = pos_weight.shape[0]
    zero = (B - B) + (T - T)
    idx = jnp.arange(t_static) + zero
    emb = jnp.take(pos_weight, idx, axis=0)  # [T, d_model]
    out = jnp.broadcast_to(emb[None, :, :], (4, t_static, emb.shape[-1]))
    return out

if __name__ == "__main__":
    import jax
    _d = setup_inputs()
    print(jax.jit(kernel)(*tuple(_d.values())))

</pallas_src>

<mosaic_0001>
#map = affine_map<(d0, d1) -> (0, 0)>
#map1 = affine_map<(d0, d1) -> (0, 0, 0)>
module attributes {stable_mosaic.version = 14 : i64} {
  func.func @_sc_body(%arg0: i32, %arg1: i32, %arg2: memref<8192x2048xf32, #tpu.memory_space<hbm>>, %arg3: memref<4x8192x2048xf32, #tpu.memory_space<hbm>>, %arg4: memref<48x2048xf32, #tpu.memory_space<vmem>>) attributes {dimension_semantics = [#tpu.dimension_semantics<core_parallel>, #tpu.dimension_semantics<subcore_parallel>], iteration_bounds = array<i64: 2, 16>, scalar_prefetch = 0 : i64, scratch_operands = 1 : i64, tpu.core_type = #tpu.core_type<sc_vector_subcore>, window_params = [{transform_indices = #map}, {transform_indices = #map1}]} {
    %mul3A = arith.constant 2 : i32
    %mul3A_0 = arith.muli %arg1, %mul3A : i32
    %add3A = arith.addi %mul3A_0, %arg0 : i32
    %mul3A_1 = arith.constant 128 : i32
    %mul3A_2 = arith.muli %add3A, %mul3A_1 : i32
    %add3A_3 = arith.constant 4096 : i32
    %add3A_4 = arith.addi %add3A_3, %mul3A_2 : i32
    %add3A_5 = arith.constant 0 : i32
    %add3A_6 = arith.addi %add3A_4, %add3A_5 : i32
    "tpu.region"() ({
      %run_scoped3A_22 = tpu.sem_alloc : memref<!tpu.dma_semaphore, #tpu.memory_space<semaphore_mem>>
      %dma_start3A = arith.constant 0 : i32
      %dma_start3A_23 = arith.constant 0 : i32
      %dma_start3A_24 = tpu.memref_slice %arg4[%dma_start3A, %dma_start3A_23] : memref<48x2048xf32, #tpu.memory_space<vmem>> -> memref<48x2048xf32, #tpu.memory_space<vmem>>
      %dma_start3A_25 = arith.constant 0 : i32
      %dma_start3A_26 = tpu.memref_slice %arg2[%add3A_6, %dma_start3A_25] : memref<8192x2048xf32, #tpu.memory_space<hbm>> -> memref<48x2048xf32, #tpu.memory_space<hbm>>
      %dma_start3A_27 = arith.constant 0 : i32
      %dma_start3A_28 = arith.constant 0 : i32
      %dma_start3A_29 = tpu.memref_slice %arg4[%dma_start3A_27, %dma_start3A_28] : memref<48x2048xf32, #tpu.memory_space<vmem>> -> memref<48x2048xf32, #tpu.memory_space<vmem>>
      %dma_start3A_30 = arith.constant 0 : i32
      %dma_start3A_31 = tpu.memref_slice %arg2[%add3A_6, %dma_start3A_30] : memref<8192x2048xf32, #tpu.memory_space<hbm>> -> memref<48x2048xf32, #tpu.memory_space<hbm>>
      tpu.enqueue_dma source(%dma_start3A_31 : memref<48x2048xf32, #tpu.memory_space<hbm>>) target(%dma_start3A_29 : memref<48x2048xf32, #tpu.memory_space<vmem>>) target_semaphore(%run_scoped3A_22 : memref<!tpu.dma_semaphore, #tpu.memory_space<semaphore_mem>>)
      %dma_wait3A = arith.constant 0 : i32
      %dma_wait3A_32 = arith.constant 0 : i32
      %dma_wait3A_33 = tpu.memref_slice %arg4[%dma_wait3A, %dma_wait3A_32] : memref<48x2048xf32, #tpu.memory_space<vmem>> -> memref<48x2048xf32, #tpu.memory_space<vmem>>
      %dma_wait3A_34 = arith.constant 0 : i32
      %dma_wait3A_35 = tpu.memref_slice %arg2[%add3A_6, %dma_wait3A_34] : memref<8192x2048xf32, #tpu.memory_space<hbm>> -> memref<48x2048xf32, #tpu.memory_space<hbm>>
      %dma_wait3A_36 = arith.constant 0 : i32
      %dma_wait3A_37 = arith.constant 0 : i32
      %dma_wait3A_38 = tpu.memref_slice %arg4[%dma_wait3A_36, %dma_wait3A_37] : memref<48x2048xf32, #tpu.memory_space<vmem>> -> memref<48x2048xf32, #tpu.memory_space<vmem>>
      %dma_wait3A_39 = arith.constant 0 : i32
      %dma_wait3A_40 = tpu.memref_slice %arg2[%add3A_6, %dma_wait3A_39] : memref<8192x2048xf32, #tpu.memory_space<hbm>> -> memref<48x2048xf32, #tpu.memory_space<hbm>>
      tpu.wait_dma2 semaphore(%run_scoped3A_22 : memref<!tpu.dma_semaphore, #tpu.memory_space<semaphore_mem>>) src(%dma_wait3A_40 : memref<48x2048xf32, #tpu.memory_space<hbm>>) dst(%dma_wait3A_38 : memref<48x2048xf32, #tpu.memory_space<vmem>>)
      tpu.yield
    }) : () -> ()
    %run_scoped3A = arith.constant 0 : i32
    "tpu.region"() ({
      %run_scoped3A_22 = tpu.sem_alloc : memref<!tpu.dma_semaphore, #tpu.memory_space<semaphore_mem>>
      %dma_start3A = arith.constant 0 : i32
      %dma_start3A_23 = arith.constant 0 : i32
      %dma_start3A_24 = tpu.memref_slice %arg4[%dma_start3A, %dma_start3A_23] : memref<48x2048xf32, #tpu.memory_space<vmem>> -> memref<48x2048xf32, #tpu.memory_space<vmem>>
      %dma_start3A_25 = arith.constant 0 : i32
      %dma_start3A_26 = tpu.memref_slice %arg3[%run_scoped3A, %add3A_6, %dma_start3A_25] : memref<4x8192x2048xf32, #tpu.memory_space<hbm>> -> memref<1x48x2048xf32, #tpu.memory_space<hbm>>
      %dma_start3A_27 = tpu.memref_squeeze %dma_start3A_26 : memref<1x48x2048xf32, #tpu.memory_space<hbm>> -> memref<48x2048xf32, #tpu.memory_space<hbm>>
      %dma_start3A_28 = arith.constant 0 : i32
      %dma_start3A_29 = tpu.memref_slice %arg3[%run_scoped3A, %add3A_6, %dma_start3A_28] : memref<4x8192x2048xf32, #tpu.memory_space<hbm>> -> memref<1x48x2048xf32, #tpu.memory_space<hbm>>
      %dma_start3A_30 = tpu.memref_squeeze %dma_start3A_29 : memref<1x48x2048xf32, #tpu.memory_space<hbm>> -> memref<48x2048xf32, #tpu.memory_space<hbm>>
      %dma_start3A_31 = arith.constant 0 : i32
      %dma_start3A_32 = arith.constant 0 : i32
      %dma_start3A_33 = tpu.memref_slice %arg4[%dma_start3A_31, %dma_start3A_32] : memref<48x2048xf32, #tpu.memory_space<vmem>> -> memref<48x2048xf32, #tpu.memory_space<vmem>>
      tpu.enqueue_dma source(%dma_start3A_33 : memref<48x2048xf32, #tpu.memory_space<vmem>>) target(%dma_start3A_30 : memref<48x2048xf32, #tpu.memory_space<hbm>>) target_semaphore(%run_scoped3A_22 : memref<!tpu.dma_semaphore, #tpu.memory_space<semaphore_mem>>)
      %dma_wait3A = arith.constant 0 : i32
      %dma_wait3A_34 = arith.constant 0 : i32
      %dma_wait3A_35 = tpu.memref_slice %arg4[%dma_wait3A, %dma_wait3A_34] : memref<48x2048xf32, #tpu.memory_space<vmem>> -> memref<48x2048xf32, #tpu.memory_space<vmem>>
      %dma_wait3A_36 = arith.constant 0 : i32
      %dma_wait3A_37 = tpu.memref_slice %arg3[%run_scoped3A, %add3A_6, %dma_wait3A_36] : memref<4x8192x2048xf32, #tpu.memory_space<hbm>> -> memref<1x48x2048xf32, #tpu.memory_space<hbm>>
      %dma_wait3A_38 = tpu.memref_squeeze %dma_wait3A_37 : memref<1x48x2048xf32, #tpu.memory_space<hbm>> -> memref<48x2048xf32, #tpu.memory_space<hbm>>
      %dma_wait3A_39 = arith.constant 0 : i32
      %dma_wait3A_40 = tpu.memref_slice %arg3[%run_scoped3A, %add3A_6, %dma_wait3A_39] : memref<4x8192x2048xf32, #tpu.memory_space<hbm>> -> memref<1x48x2048xf32, #tpu.memory_space<hbm>>
      %dma_wait3A_41 = tpu.memref_squeeze %dma_wait3A_40 : memref<1x48x2048xf32, #tpu.memory_space<hbm>> -> memref<48x2048xf32, #tpu.memory_space<hbm>>
      %dma_wait3A_42 = arith.constant 0 : i32
      %dma_wait3A_43 = arith.constant 0 : i32
      %dma_wait3A_44 = tpu.memref_slice %arg4[%dma_wait3A_42, %dma_wait3A_43] : memref<48x2048xf32, #tpu.memory_space<vmem>> -> memref<48x2048xf32, #tpu.memory_space<vmem>>
      tpu.wait_dma2 semaphore(%run_scoped3A_22 : memref<!tpu.dma_semaphore, #tpu.memory_space<semaphore_mem>>) src(%dma_wait3A_44 : memref<48x2048xf32, #tpu.memory_space<vmem>>) dst(%dma_wait3A_41 : memref<48x2048xf32, #tpu.memory_space<hbm>>)
      tpu.yield
    }) : () -> ()
    %run_scoped3A_7 = arith.constant 1 : i32
    "tpu.region"() ({
      %run_scoped3A_22 = tpu.sem_alloc : memref<!tpu.dma_semaphore, #tpu.memory_space<semaphore_mem>>
      %dma_start3A = arith.constant 0 : i32
      %dma_start3A_23 = arith.constant 0 : i32
      %dma_start3A_24 = tpu.memref_slice %arg4[%dma_start3A, %dma_start3A_23] : memref<48x2048xf32, #tpu.memory_space<vmem>> -> memref<48x2048xf32, #tpu.memory_space<vmem>>
      %dma_start3A_25 = arith.constant 0 : i32
      %dma_start3A_26 = tpu.memref_slice %arg3[%run_scoped3A_7, %add3A_6, %dma_start3A_25] : memref<4x8192x2048xf32, #tpu.memory_space<hbm>> -> memref<1x48x2048xf32, #tpu.memory_space<hbm>>
      %dma_start3A_27 = tpu.memref_squeeze %dma_start3A_26 : memref<1x48x2048xf32, #tpu.memory_space<hbm>> -> memref<48x2048xf32, #tpu.memory_space<hbm>>
      %dma_start3A_28 = arith.constant 0 : i32
      %dma_start3A_29 = tpu.memref_slice %arg3[%run_scoped3A_7, %add3A_6, %dma_start3A_28] : memref<4x8192x2048xf32, #tpu.memory_space<hbm>> -> memref<1x48x2048xf32, #tpu.memory_space<hbm>>
      %dma_start3A_30 = tpu.memref_squeeze %dma_start3A_29 : memref<1x48x2048xf32, #tpu.memory_space<hbm>> -> memref<48x2048xf32, #tpu.memory_space<hbm>>
      %dma_start3A_31 = arith.constant 0 : i32
      %dma_start3A_32 = arith.constant 0 : i32
      %dma_start3A_33 = tpu.memref_slice %arg4[%dma_start3A_31, %dma_start3A_32] : memref<48x2048xf32, #tpu.memory_space<vmem>> -> memref<48x2048xf32, #tpu.memory_space<vmem>>
      tpu.enqueue_dma source(%dma_start3A_33 : memref<48x2048xf32, #tpu.memory_space<vmem>>) target(%dma_start3A_30 : memref<48x2048xf32, #tpu.memory_space<hbm>>) target_semaphore(%run_scoped3A_22 : memref<!tpu.dma_semaphore, #tpu.memory_space<semaphore_mem>>)
      %dma_wait3A = arith.constant 0 : i32
      %dma_wait3A_34 = arith.constant 0 : i32
      %dma_wait3A_35 = tpu.memref_slice %arg4[%dma_wait3A, %dma_wait3A_34] : memref<48x2048xf32, #tpu.memory_space<vmem>> -> memref<48x2048xf32, #tpu.memory_space<vmem>>
      %dma_wait3A_36 = arith.constant 0 : i32
      %dma_wait3A_37 = tpu.memref_slice %arg3[%run_scoped3A_7, %add3A_6, %dma_wait3A_36] : memref<4x8192x2048xf32, #tpu.memory_space<hbm>> -> memref<1x48x2048xf32, #tpu.memory_space<hbm>>
      %dma_wait3A_38 = tpu.memref_squeeze %dma_wait3A_37 : memref<1x48x2048xf32, #tpu.memory_space<hbm>> -> memref<48x2048xf32, #tpu.memory_space<hbm>>
      %dma_wait3A_39 = arith.constant 0 : i32
      %dma_wait3A_40 = tpu.memref_slice %arg3[%run_scoped3A_7, %add3A_6, %dma_wait3A_39] : memref<4x8192x2048xf32, #tpu.memory_space<hbm>> -> memref<1x48x2048xf32, #tpu.memory_space<hbm>>
      %dma_wait3A_41 = tpu.memref_squeeze %dma_wait3A_40 : memref<1x48x2048xf32, #tpu.memory_space<hbm>> -> memref<48x2048xf32, #tpu.memory_space<hbm>>
      %dma_wait3A_42 = arith.constant 0 : i32
      %dma_wait3A_43 = arith.constant 0 : i32
      %dma_wait3A_44 = tpu.memref_slice %arg4[%dma_wait3A_42, %dma_wait3A_43] : memref<48x2048xf32, #tpu.memory_space<vmem>> -> memref<48x2048xf32, #tpu.memory_space<vmem>>
      tpu.wait_dma2 semaphore(%run_scoped3A_22 : memref<!tpu.dma_semaphore, #tpu.memory_space<semaphore_mem>>) src(%dma_wait3A_44 : memref<48x2048xf32, #tpu.memory_space<vmem>>) dst(%dma_wait3A_41 : memref<48x2048xf32, #tpu.memory_space<hbm>>)
      tpu.yield
    }) : () -> ()
    %run_scoped3A_8 = arith.constant 2 : i32
    "tpu.region"() ({
      %run_scoped3A_22 = tpu.sem_alloc : memref<!tpu.dma_semaphore, #tpu.memory_space<semaphore_mem>>
      %dma_start3A = arith.constant 0 : i32
      %dma_start3A_23 = arith.constant 0 : i32
      %dma_start3A_24 = tpu.memref_slice %arg4[%dma_start3A, %dma_start3A_23] : memref<48x2048xf32, #tpu.memory_space<vmem>> -> memref<48x2048xf32, #tpu.memory_space<vmem>>
      %dma_start3A_25 = arith.constant 0 : i32
      %dma_start3A_26 = tpu.memref_slice %arg3[%run_scoped3A_8, %add3A_6, %dma_start3A_25] : memref<4x8192x2048xf32, #tpu.memory_space<hbm>> -> memref<1x48x2048xf32, #tpu.memory_space<hbm>>
      %dma_start3A_27 = tpu.memref_squeeze %dma_start3A_26 : memref<1x48x2048xf32, #tpu.memory_space<hbm>> -> memref<48x2048xf32, #tpu.memory_space<hbm>>
      %dma_start3A_28 = arith.constant 0 : i32
      %dma_start3A_29 = tpu.memref_slice %arg3[%run_scoped3A_8, %add3A_6, %dma_start3A_28] : memref<4x8192x2048xf32, #tpu.memory_space<hbm>> -> memref<1x48x2048xf32, #tpu.memory_space<hbm>>
      %dma_start3A_30 = tpu.memref_squeeze %dma_start3A_29 : memref<1x48x2048xf32, #tpu.memory_space<hbm>> -> memref<48x2048xf32, #tpu.memory_space<hbm>>
      %dma_start3A_31 = arith.constant 0 : i32
      %dma_start3A_32 = arith.constant 0 : i32
      %dma_start3A_33 = tpu.memref_slice %arg4[%dma_start3A_31, %dma_start3A_32] : memref<48x2048xf32, #tpu.memory_space<vmem>> -> memref<48x2048xf32, #tpu.memory_space<vmem>>
      tpu.enqueue_dma source(%dma_start3A_33 : memref<48x2048xf32, #tpu.memory_space<vmem>>) target(%dma_start3A_30 : memref<48x2048xf32, #tpu.memory_space<hbm>>) target_semaphore(%run_scoped3A_22 : memref<!tpu.dma_semaphore, #tpu.memory_space<semaphore_mem>>)
      %dma_wait3A = arith.constant 0 : i32
      %dma_wait3A_34 = arith.constant 0 : i32
      %dma_wait3A_35 = tpu.memref_slice %arg4[%dma_wait3A, %dma_wait3A_34] : memref<48x2048xf32, #tpu.memory_space<vmem>> -> memref<48x2048xf32, #tpu.memory_space<vmem>>
      %dma_wait3A_36 = arith.constant 0 : i32
      %dma_wait3A_37 = tpu.memref_slice %arg3[%run_scoped3A_8, %add3A_6, %dma_wait3A_36] : memref<4x8192x2048xf32, #tpu.memory_space<hbm>> -> memref<1x48x2048xf32, #tpu.memory_space<hbm>>
      %dma_wait3A_38 = tpu.memref_squeeze %dma_wait3A_37 : memref<1x48x2048xf32, #tpu.memory_space<hbm>> -> memref<48x2048xf32, #tpu.memory_space<hbm>>
      %dma_wait3A_39 = arith.constant 0 : i32
      %dma_wait3A_40 = tpu.memref_slice %arg3[%run_scoped3A_8, %add3A_6, %dma_wait3A_39] : memref<4x8192x2048xf32, #tpu.memory_space<hbm>> -> memref<1x48x2048xf32, #tpu.memory_space<hbm>>
      %dma_wait3A_41 = tpu.memref_squeeze %dma_wait3A_40 : memref<1x48x2048xf32, #tpu.memory_space<hbm>> -> memref<48x2048xf32, #tpu.memory_space<hbm>>
      %dma_wait3A_42 = arith.constant 0 : i32
      %dma_wait3A_43 = arith.constant 0 : i32
      %dma_wait3A_44 = tpu.memref_slice %arg4[%dma_wait3A_42, %dma_wait3A_43] : memref<48x2048xf32, #tpu.memory_space<vmem>> -> memref<48x2048xf32, #tpu.memory_space<vmem>>
      tpu.wait_dma2 semaphore(%run_scoped3A_22 : memref<!tpu.dma_semaphore, #tpu.memory_space<semaphore_mem>>) src(%dma_wait3A_44 : memref<48x2048xf32, #tpu.memory_space<vmem>>) dst(%dma_wait3A_41 : memref<48x2048xf32, #tpu.memory_space<hbm>>)
      tpu.yield
    }) : () -> ()
    %run_scoped3A_9 = arith.constant 3 : i32
    "tpu.region"() ({
      %run_scoped3A_22 = tpu.sem_alloc : memref<!tpu.dma_semaphore, #tpu.memory_space<semaphore_mem>>
      %dma_start3A = arith.constant 0 : i32
      %dma_start3A_23 = arith.constant 0 : i32
      %dma_start3A_24 = tpu.memref_slice %arg4[%dma_start3A, %dma_start3A_23] : memref<48x2048xf32, #tpu.memory_space<vmem>> -> memref<48x2048xf32, #tpu.memory_space<vmem>>
      %dma_start3A_25 = arith.constant 0 : i32
      %dma_start3A_26 = tpu.memref_slice %arg3[%run_scoped3A_9, %add3A_6, %dma_start3A_25] : memref<4x8192x2048xf32, #tpu.memory_space<hbm>> -> memref<1x48x2048xf32, #tpu.memory_space<hbm>>
      %dma_start3A_27 = tpu.memref_squeeze %dma_start3A_26 : memref<1x48x2048xf32, #tpu.memory_space<hbm>> -> memref<48x2048xf32, #tpu.memory_space<hbm>>
      %dma_start3A_28 = arith.constant 0 : i32
      %dma_start3A_29 = tpu.memref_slice %arg3[%run_scoped3A_9, %add3A_6, %dma_start3A_28] : memref<4x8192x2048xf32, #tpu.memory_space<hbm>> -> memref<1x48x2048xf32, #tpu.memory_space<hbm>>
      %dma_start3A_30 = tpu.memref_squeeze %dma_start3A_29 : memref<1x48x2048xf32, #tpu.memory_space<hbm>> -> memref<48x2048xf32, #tpu.memory_space<hbm>>
      %dma_start3A_31 = arith.constant 0 : i32
      %dma_start3A_32 = arith.constant 0 : i32
      %dma_start3A_33 = tpu.memref_slice %arg4[%dma_start3A_31, %dma_start3A_32] : memref<48x2048xf32, #tpu.memory_space<vmem>> -> memref<48x2048xf32, #tpu.memory_space<vmem>>
      tpu.enqueue_dma source(%dma_start3A_33 : memref<48x2048xf32, #tpu.memory_space<vmem>>) target(%dma_start3A_30 : memref<48x2048xf32, #tpu.memory_space<hbm>>) target_semaphore(%run_scoped3A_22 : memref<!tpu.dma_semaphore, #tpu.memory_space<semaphore_mem>>)
      %dma_wait3A = arith.constant 0 : i32
      %dma_wait3A_34 = arith.constant 0 : i32
      %dma_wait3A_35 = tpu.memref_slice %arg4[%dma_wait3A, %dma_wait3A_34] : memref<48x2048xf32, #tpu.memory_space<vmem>> -> memref<48x2048xf32, #tpu.memory_space<vmem>>
      %dma_wait3A_36 = arith.constant 0 : i32
      %dma_wait3A_37 = tpu.memref_slice %arg3[%run_scoped3A_9, %add3A_6, %dma_wait3A_36] : memref<4x8192x2048xf32, #tpu.memory_space<hbm>> -> memref<1x48x2048xf32, #tpu.memory_space<hbm>>
      %dma_wait3A_38 = tpu.memref_squeeze %dma_wait3A_37 : memref<1x48x2048xf32, #tpu.memory_space<hbm>> -> memref<48x2048xf32, #tpu.memory_space<hbm>>
      %dma_wait3A_39 = arith.constant 0 : i32
      %dma_wait3A_40 = tpu.memref_slice %arg3[%run_scoped3A_9, %add3A_6, %dma_wait3A_39] : memref<4x8192x2048xf32, #tpu.memory_space<hbm>> -> memref<1x48x2048xf32, #tpu.memory_space<hbm>>
      %dma_wait3A_41 = tpu.memref_squeeze %dma_wait3A_40 : memref<1x48x2048xf32, #tpu.memory_space<hbm>> -> memref<48x2048xf32, #tpu.memory_space<hbm>>
      %dma_wait3A_42 = arith.constant 0 : i32
      %dma_wait3A_43 = arith.constant 0 : i32
      %dma_wait3A_44 = tpu.memref_slice %arg4[%dma_wait3A_42, %dma_wait3A_43] : memref<48x2048xf32, #tpu.memory_space<vmem>> -> memref<48x2048xf32, #tpu.memory_space<vmem>>
      tpu.wait_dma2 semaphore(%run_scoped3A_22 : memref<!tpu.dma_semaphore, #tpu.memory_space<semaphore_mem>>) src(%dma_wait3A_44 : memref<48x2048xf32, #tpu.memory_space<vmem>>) dst(%dma_wait3A_41 : memref<48x2048xf32, #tpu.memory_space<hbm>>)
      tpu.yield
    }) : () -> ()
    %add3A_10 = arith.constant 48 : i32
    %add3A_11 = arith.addi %add3A_4, %add3A_10 : i32
    "tpu.region"() ({
      %run_scoped3A_22 = tpu.sem_alloc : memref<!tpu.dma_semaphore, #tpu.memory_space<semaphore_mem>>
      %dma_start3A = arith.constant 0 : i32
      %dma_start3A_23 = arith.constant 0 : i32
      %dma_start3A_24 = tpu.memref_slice %arg4[%dma_start3A, %dma_start3A_23] : memref<48x2048xf32, #tpu.memory_space<vmem>> -> memref<48x2048xf32, #tpu.memory_space<vmem>>
      %dma_start3A_25 = arith.constant 0 : i32
      %dma_start3A_26 = tpu.memref_slice %arg2[%add3A_11, %dma_start3A_25] : memref<8192x2048xf32, #tpu.memory_space<hbm>> -> memref<48x2048xf32, #tpu.memory_space<hbm>>
      %dma_start3A_27 = arith.constant 0 : i32
      %dma_start3A_28 = arith.constant 0 : i32
      %dma_start3A_29 = tpu.memref_slice %arg4[%dma_start3A_27, %dma_start3A_28] : memref<48x2048xf32, #tpu.memory_space<vmem>> -> memref<48x2048xf32, #tpu.memory_space<vmem>>
      %dma_start3A_30 = arith.constant 0 : i32
      %dma_start3A_31 = tpu.memref_slice %arg2[%add3A_11, %dma_start3A_30] : memref<8192x2048xf32, #tpu.memory_space<hbm>> -> memref<48x2048xf32, #tpu.memory_space<hbm>>
      tpu.enqueue_dma source(%dma_start3A_31 : memref<48x2048xf32, #tpu.memory_space<hbm>>) target(%dma_start3A_29 : memref<48x2048xf32, #tpu.memory_space<vmem>>) target_semaphore(%run_scoped3A_22 : memref<!tpu.dma_semaphore, #tpu.memory_space<semaphore_mem>>)
      %dma_wait3A = arith.constant 0 : i32
      %dma_wait3A_32 = arith.constant 0 : i32
      %dma_wait3A_33 = tpu.memref_slice %arg4[%dma_wait3A, %dma_wait3A_32] : memref<48x2048xf32, #tpu.memory_space<vmem>> -> memref<48x2048xf32, #tpu.memory_space<vmem>>
      %dma_wait3A_34 = arith.constant 0 : i32
      %dma_wait3A_35 = tpu.memref_slice %arg2[%add3A_11, %dma_wait3A_34] : memref<8192x2048xf32, #tpu.memory_space<hbm>> -> memref<48x2048xf32, #tpu.memory_space<hbm>>
      %dma_wait3A_36 = arith.constant 0 : i32
      %dma_wait3A_37 = arith.constant 0 : i32
      %dma_wait3A_38 = tpu.memref_slice %arg4[%dma_wait3A_36, %dma_wait3A_37] : memref<48x2048xf32, #tpu.memory_space<vmem>> -> memref<48x2048xf32, #tpu.memory_space<vmem>>
      %dma_wait3A_39 = arith.constant 0 : i32
      %dma_wait3A_40 = tpu.memref_slice %arg2[%add3A_11, %dma_wait3A_39] : memref<8192x2048xf32, #tpu.memory_space<hbm>> -> memref<48x2048xf32, #tpu.memory_space<hbm>>
      tpu.wait_dma2 semaphore(%run_scoped3A_22 : memref<!tpu.dma_semaphore, #tpu.memory_space<semaphore_mem>>) src(%dma_wait3A_40 : memref<48x2048xf32, #tpu.memory_space<hbm>>) dst(%dma_wait3A_38 : memref<48x2048xf32, #tpu.memory_space<vmem>>)
      tpu.yield
    }) : () -> ()
    %run_scoped3A_12 = arith.constant 0 : i32
    "tpu.region"() ({
      %run_scoped3A_22 = tpu.sem_alloc : memref<!tpu.dma_semaphore, #tpu.memory_space<semaphore_mem>>
      %dma_start3A = arith.constant 0 : i32
      %dma_start3A_23 = arith.constant 0 : i32
      %dma_start3A_24 = tpu.memref_slice %arg4[%dma_start3A, %dma_start3A_23] : memref<48x2048xf32, #tpu.memory_space<vmem>> -> memref<48x2048xf32, #tpu.memory_space<vmem>>
      %dma_start3A_25 = arith.constant 0 : i32
      %dma_start3A_26 = tpu.memref_slice %arg3[%run_scoped3A_12, %add3A_11, %dma_start3A_25] : memref<4x8192x2048xf32, #tpu.memory_space<hbm>> -> memref<1x48x2048xf32, #tpu.memory_space<hbm>>
      %dma_start3A_27 = tpu.memref_squeeze %dma_start3A_26 : memref<1x48x2048xf32, #tpu.memory_space<hbm>> -> memref<48x2048xf32, #tpu.memory_space<hbm>>
      %dma_start3A_28 = arith.constant 0 : i32
      %dma_start3A_29 = tpu.memref_slice %arg3[%run_scoped3A_12, %add3A_11, %dma_start3A_28] : memref<4x8192x2048xf32, #tpu.memory_space<hbm>> -> memref<1x48x2048xf32, #tpu.memory_space<hbm>>
      %dma_start3A_30 = tpu.memref_squeeze %dma_start3A_29 : memref<1x48x2048xf32, #tpu.memory_space<hbm>> -> memref<48x2048xf32, #tpu.memory_space<hbm>>
      %dma_start3A_31 = arith.constant 0 : i32
      %dma_start3A_32 = arith.constant 0 : i32
      %dma_start3A_33 = tpu.memref_slice %arg4[%dma_start3A_31, %dma_start3A_32] : memref<48x2048xf32, #tpu.memory_space<vmem>> -> memref<48x2048xf32, #tpu.memory_space<vmem>>
      tpu.enqueue_dma source(%dma_start3A_33 : memref<48x2048xf32, #tpu.memory_space<vmem>>) target(%dma_start3A_30 : memref<48x2048xf32, #tpu.memory_space<hbm>>) target_semaphore(%run_scoped3A_22 : memref<!tpu.dma_semaphore, #tpu.memory_space<semaphore_mem>>)
      %dma_wait3A = arith.constant 0 : i32
      %dma_wait3A_34 = arith.constant 0 : i32
      %dma_wait3A_35 = tpu.memref_slice %arg4[%dma_wait3A, %dma_wait3A_34] : memref<48x2048xf32, #tpu.memory_space<vmem>> -> memref<48x2048xf32, #tpu.memory_space<vmem>>
      %dma_wait3A_36 = arith.constant 0 : i32
      %dma_wait3A_37 = tpu.memref_slice %arg3[%run_scoped3A_12, %add3A_11, %dma_wait3A_36] : memref<4x8192x2048xf32, #tpu.memory_space<hbm>> -> memref<1x48x2048xf32, #tpu.memory_space<hbm>>
      %dma_wait3A_38 = tpu.memref_squeeze %dma_wait3A_37 : memref<1x48x2048xf32, #tpu.memory_space<hbm>> -> memref<48x2048xf32, #tpu.memory_space<hbm>>
      %dma_wait3A_39 = arith.constant 0 : i32
      %dma_wait3A_40 = tpu.memref_slice %arg3[%run_scoped3A_12, %add3A_11, %dma_wait3A_39] : memref<4x8192x2048xf32, #tpu.memory_space<hbm>> -> memref<1x48x2048xf32, #tpu.memory_space<hbm>>
      %dma_wait3A_41 = tpu.memref_squeeze %dma_wait3A_40 : memref<1x48x2048xf32, #tpu.memory_space<hbm>> -> memref<48x2048xf32, #tpu.memory_space<hbm>>
      %dma_wait3A_42 = arith.constant 0 : i32
      %dma_wait3A_43 = arith.constant 0 : i32
      %dma_wait3A_44 = tpu.memref_slice %arg4[%dma_wait3A_42, %dma_wait3A_43] : memref<48x2048xf32, #tpu.memory_space<vmem>> -> memref<48x2048xf32, #tpu.memory_space<vmem>>
      tpu.wait_dma2 semaphore(%run_scoped3A_22 : memref<!tpu.dma_semaphore, #tpu.memory_space<semaphore_mem>>) src(%dma_wait3A_44 : memref<48x2048xf32, #tpu.memory_space<vmem>>) dst(%dma_wait3A_41 : memref<48x2048xf32, #tpu.memory_space<hbm>>)
      tpu.yield
    }) : () -> ()
    %run_scoped3A_13 = arith.constant 1 : i32
    "tpu.region"() ({
      %run_scoped3A_22 = tpu.sem_alloc : memref<!tpu.dma_semaphore, #tpu.memory_space<semaphore_mem>>
      %dma_start3A = arith.constant 0 : i32
      %dma_start3A_23 = arith.constant 0 : i32
      %dma_start3A_24 = tpu.memref_slice %arg4[%dma_start3A, %dma_start3A_23] : memref<48x2048xf32, #tpu.memory_space<vmem>> -> memref<48x2048xf32, #tpu.memory_space<vmem>>
      %dma_start3A_25 = arith.constant 0 : i32
      %dma_start3A_26 = tpu.memref_slice %arg3[%run_scoped3A_13, %add3A_11, %dma_start3A_25] : memref<4x8192x2048xf32, #tpu.memory_space<hbm>> -> memref<1x48x2048xf32, #tpu.memory_space<hbm>>
      %dma_start3A_27 = tpu.memref_squeeze %dma_start3A_26 : memref<1x48x2048xf32, #tpu.memory_space<hbm>> -> memref<48x2048xf32, #tpu.memory_space<hbm>>
      %dma_start3A_28 = arith.constant 0 : i32
      %dma_start3A_29 = tpu.memref_slice %arg3[%run_scoped3A_13, %add3A_11, %dma_start3A_28] : memref<4x8192x2048xf32, #tpu.memory_space<hbm>> -> memref<1x48x2048xf32, #tpu.memory_space<hbm>>
      %dma_start3A_30 = tpu.memref_squeeze %dma_start3A_29 : memref<1x48x2048xf32, #tpu.memory_space<hbm>> -> memref<48x2048xf32, #tpu.memory_space<hbm>>
      %dma_start3A_31 = arith.constant 0 : i32
      %dma_start3A_32 = arith.constant 0 : i32
      %dma_start3A_33 = tpu.memref_slice %arg4[%dma_start3A_31, %dma_start3A_32] : memref<48x2048xf32, #tpu.memory_space<vmem>> -> memref<48x2048xf32, #tpu.memory_space<vmem>>
      tpu.enqueue_dma source(%dma_start3A_33 : memref<48x2048xf32, #tpu.memory_space<vmem>>) target(%dma_start3A_30 : memref<48x2048xf32, #tpu.memory_space<hbm>>) target_semaphore(%run_scoped3A_22 : memref<!tpu.dma_semaphore, #tpu.memory_space<semaphore_mem>>)
      %dma_wait3A = arith.constant 0 : i32
      %dma_wait3A_34 = arith.constant 0 : i32
      %dma_wait3A_35 = tpu.memref_slice %arg4[%dma_wait3A, %dma_wait3A_34] : memref<48x2048xf32, #tpu.memory_space<vmem>> -> memref<48x2048xf32, #tpu.memory_space<vmem>>
      %dma_wait3A_36 = arith.constant 0 : i32
      %dma_wait3A_37 = tpu.memref_slice %arg3[%run_scoped3A_13, %add3A_11, %dma_wait3A_36] : memref<4x8192x2048xf32, #tpu.memory_space<hbm>> -> memref<1x48x2048xf32, #tpu.memory_space<hbm>>
      %dma_wait3A_38 = tpu.memref_squeeze %dma_wait3A_37 : memref<1x48x2048xf32, #tpu.memory_space<hbm>> -> memref<48x2048xf32, #tpu.memory_space<hbm>>
      %dma_wait3A_39 = arith.constant 0 : i32
      %dma_wait3A_40 = tpu.memref_slice %arg3[%run_scoped3A_13, %add3A_11, %dma_wait3A_39] : memref<4x8192x2048xf32, #tpu.memory_space<hbm>> -> memref<1x48x2048xf32, #tpu.memory_space<hbm>>
      %dma_wait3A_41 = tpu.memref_squeeze %dma_wait3A_40 : memref<1x48x2048xf32, #tpu.memory_space<hbm>> -> memref<48x2048xf32, #tpu.memory_space<hbm>>
      %dma_wait3A_42 = arith.constant 0 : i32
      %dma_wait3A_43 = arith.constant 0 : i32
      %dma_wait3A_44 = tpu.memref_slice %arg4[%dma_wait3A_42, %dma_wait3A_43] : memref<48x2048xf32, #tpu.memory_space<vmem>> -> memref<48x2048xf32, #tpu.memory_space<vmem>>
      tpu.wait_dma2 semaphore(%run_scoped3A_22 : memref<!tpu.dma_semaphore, #tpu.memory_space<semaphore_mem>>) src(%dma_wait3A_44 : memref<48x2048xf32, #tpu.memory_space<vmem>>) dst(%dma_wait3A_41 : memref<48x2048xf32, #tpu.memory_space<hbm>>)
      tpu.yield
    }) : () -> ()
    %run_scoped3A_14 = arith.constant 2 : i32
    "tpu.region"() ({
      %run_scoped3A_22 = tpu.sem_alloc : memref<!tpu.dma_semaphore, #tpu.memory_space<semaphore_mem>>
      %dma_start3A = arith.constant 0 : i32
      %dma_start3A_23 = arith.constant 0 : i32
      %dma_start3A_24 = tpu.memref_slice %arg4[%dma_start3A, %dma_start3A_23] : memref<48x2048xf32, #tpu.memory_space<vmem>> -> memref<48x2048xf32, #tpu.memory_space<vmem>>
      %dma_start3A_25 = arith.constant 0 : i32
      %dma_start3A_26 = tpu.memref_slice %arg3[%run_scoped3A_14, %add3A_11, %dma_start3A_25] : memref<4x8192x2048xf32, #tpu.memory_space<hbm>> -> memref<1x48x2048xf32, #tpu.memory_space<hbm>>
      %dma_start3A_27 = tpu.memref_squeeze %dma_start3A_26 : memref<1x48x2048xf32, #tpu.memory_space<hbm>> -> memref<48x2048xf32, #tpu.memory_space<hbm>>
      %dma_start3A_28 = arith.constant 0 : i32
      %dma_start3A_29 = tpu.memref_slice %arg3[%run_scoped3A_14, %add3A_11, %dma_start3A_28] : memref<4x8192x2048xf32, #tpu.memory_space<hbm>> -> memref<1x48x2048xf32, #tpu.memory_space<hbm>>
      %dma_start3A_30 = tpu.memref_squeeze %dma_start3A_29 : memref<1x48x2048xf32, #tpu.memory_space<hbm>> -> memref<48x2048xf32, #tpu.memory_space<hbm>>
      %dma_start3A_31 = arith.constant 0 : i32
      %dma_start3A_32 = arith.constant 0 : i32
      %dma_start3A_33 = tpu.memref_slice %arg4[%dma_start3A_31, %dma_start3A_32] : memref<48x2048xf32, #tpu.memory_space<vmem>> -> memref<48x2048xf32, #tpu.memory_space<vmem>>
      tpu.enqueue_dma source(%dma_start3A_33 : memref<48x2048xf32, #tpu.memory_space<vmem>>) target(%dma_start3A_30 : memref<48x2048xf32, #tpu.memory_space<hbm>>) target_semaphore(%run_scoped3A_22 : memref<!tpu.dma_semaphore, #tpu.memory_space<semaphore_mem>>)
      %dma_wait3A = arith.constant 0 : i32
      %dma_wait3A_34 = arith.constant 0 : i32
      %dma_wait3A_35 = tpu.memref_slice %arg4[%dma_wait3A, %dma_wait3A_34] : memref<48x2048xf32, #tpu.memory_space<vmem>> -> memref<48x2048xf32, #tpu.memory_space<vmem>>
      %dma_wait3A_36 = arith.constant 0 : i32
      %dma_wait3A_37 = tpu.memref_slice %arg3[%run_scoped3A_14, %add3A_11, %dma_wait3A_36] : memref<4x8192x2048xf32, #tpu.memory_space<hbm>> -> memref<1x48x2048xf32, #tpu.memory_space<hbm>>
      %dma_wait3A_38 = tpu.memref_squeeze %dma_wait3A_37 : memref<1x48x2048xf32, #tpu.memory_space<hbm>> -> memref<48x2048xf32, #tpu.memory_space<hbm>>
      %dma_wait3A_39 = arith.constant 0 : i32
      %dma_wait3A_40 = tpu.memref_slice %arg3[%run_scoped3A_14, %add3A_11, %dma_wait3A_39] : memref<4x8192x2048xf32, #tpu.memory_space<hbm>> -> memref<1x48x2048xf32, #tpu.memory_space<hbm>>
      %dma_wait3A_41 = tpu.memref_squeeze %dma_wait3A_40 : memref<1x48x2048xf32, #tpu.memory_space<hbm>> -> memref<48x2048xf32, #tpu.memory_space<hbm>>
      %dma_wait3A_42 = arith.constant 0 : i32
      %dma_wait3A_43 = arith.constant 0 : i32
      %dma_wait3A_44 = tpu.memref_slice %arg4[%dma_wait3A_42, %dma_wait3A_43] : memref<48x2048xf32, #tpu.memory_space<vmem>> -> memref<48x2048xf32, #tpu.memory_space<vmem>>
      tpu.wait_dma2 semaphore(%run_scoped3A_22 : memref<!tpu.dma_semaphore, #tpu.memory_space<semaphore_mem>>) src(%dma_wait3A_44 : memref<48x2048xf32, #tpu.memory_space<vmem>>) dst(%dma_wait3A_41 : memref<48x2048xf32, #tpu.memory_space<hbm>>)
      tpu.yield
    }) : () -> ()
    %run_scoped3A_15 = arith.constant 3 : i32
    "tpu.region"() ({
      %run_scoped3A_22 = tpu.sem_alloc : memref<!tpu.dma_semaphore, #tpu.memory_space<semaphore_mem>>
      %dma_start3A = arith.constant 0 : i32
      %dma_start3A_23 = arith.constant 0 : i32
      %dma_start3A_24 = tpu.memref_slice %arg4[%dma_start3A, %dma_start3A_23] : memref<48x2048xf32, #tpu.memory_space<vmem>> -> memref<48x2048xf32, #tpu.memory_space<vmem>>
      %dma_start3A_25 = arith.constant 0 : i32
      %dma_start3A_26 = tpu.memref_slice %arg3[%run_scoped3A_15, %add3A_11, %dma_start3A_25] : memref<4x8192x2048xf32, #tpu.memory_space<hbm>> -> memref<1x48x2048xf32, #tpu.memory_space<hbm>>
      %dma_start3A_27 = tpu.memref_squeeze %dma_start3A_26 : memref<1x48x2048xf32, #tpu.memory_space<hbm>> -> memref<48x2048xf32, #tpu.memory_space<hbm>>
      %dma_start3A_28 = arith.constant 0 : i32
      %dma_start3A_29 = tpu.memref_slice %arg3[%run_scoped3A_15, %add3A_11, %dma_start3A_28] : memref<4x8192x2048xf32, #tpu.memory_space<hbm>> -> memref<1x48x2048xf32, #tpu.memory_space<hbm>>
      %dma_start3A_30 = tpu.memref_squeeze %dma_start3A_29 : memref<1x48x2048xf32, #tpu.memory_space<hbm>> -> memref<48x2048xf32, #tpu.memory_space<hbm>>
      %dma_start3A_31 = arith.constant 0 : i32
      %dma_start3A_32 = arith.constant 0 : i32
      %dma_start3A_33 = tpu.memref_slice %arg4[%dma_start3A_31, %dma_start3A_32] : memref<48x2048xf32, #tpu.memory_space<vmem>> -> memref<48x2048xf32, #tpu.memory_space<vmem>>
      tpu.enqueue_dma source(%dma_start3A_33 : memref<48x2048xf32, #tpu.memory_space<vmem>>) target(%dma_start3A_30 : memref<48x2048xf32, #tpu.memory_space<hbm>>) target_semaphore(%run_scoped3A_22 : memref<!tpu.dma_semaphore, #tpu.memory_space<semaphore_mem>>)
      %dma_wait3A = arith.constant 0 : i32
      %dma_wait3A_34 = arith.constant 0 : i32
      %dma_wait3A_35 = tpu.memref_slice %arg4[%dma_wait3A, %dma_wait3A_34] : memref<48x2048xf32, #tpu.memory_space<vmem>> -> memref<48x2048xf32, #tpu.memory_space<vmem>>
      %dma_wait3A_36 = arith.constant 0 : i32
      %dma_wait3A_37 = tpu.memref_slice %arg3[%run_scoped3A_15, %add3A_11, %dma_wait3A_36] : memref<4x8192x2048xf32, #tpu.memory_space<hbm>> -> memref<1x48x2048xf32, #tpu.memory_space<hbm>>
      %dma_wait3A_38 = tpu.memref_squeeze %dma_wait3A_37 : memref<1x48x2048xf32, #tpu.memory_space<hbm>> -> memref<48x2048xf32, #tpu.memory_space<hbm>>
      %dma_wait3A_39 = arith.constant 0 : i32
      %dma_wait3A_40 = tpu.memref_slice %arg3[%run_scoped3A_15, %add3A_11, %dma_wait3A_39] : memref<4x8192x2048xf32, #tpu.memory_space<hbm>> -> memref<1x48x2048xf32, #tpu.memory_space<hbm>>
      %dma_wait3A_41 = tpu.memref_squeeze %dma_wait3A_40 : memref<1x48x2048xf32, #tpu.memory_space<hbm>> -> memref<48x2048xf32, #tpu.memory_space<hbm>>
      %dma_wait3A_42 = arith.constant 0 : i32
      %dma_wait3A_43 = arith.constant 0 : i32
      %dma_wait3A_44 = tpu.memref_slice %arg4[%dma_wait3A_42, %dma_wait3A_43] : memref<48x2048xf32, #tpu.memory_space<vmem>> -> memref<48x2048xf32, #tpu.memory_space<vmem>>
      tpu.wait_dma2 semaphore(%run_scoped3A_22 : memref<!tpu.dma_semaphore, #tpu.memory_space<semaphore_mem>>) src(%dma_wait3A_44 : memref<48x2048xf32, #tpu.memory_space<vmem>>) dst(%dma_wait3A_41 : memref<48x2048xf32, #tpu.memory_space<hbm>>)
      tpu.yield
    }) : () -> ()
    %add3A_16 = arith.constant 96 : i32
    %add3A_17 = arith.addi %add3A_4, %add3A_16 : i32
    "tpu.region"() ({
      %run_scoped3A_22 = tpu.sem_alloc : memref<!tpu.dma_semaphore, #tpu.memory_space<semaphore_mem>>
      %dma_start3A = arith.constant 0 : i32
      %dma_start3A_23 = arith.constant 0 : i32
      %dma_start3A_24 = tpu.memref_slice %arg4[%dma_start3A, %dma_start3A_23] : memref<48x2048xf32, #tpu.memory_space<vmem>> -> memref<32x2048xf32, #tpu.memory_space<vmem>>
      %dma_start3A_25 = arith.constant 0 : i32
      %dma_start3A_26 = tpu.memref_slice %arg2[%add3A_17, %dma_start3A_25] : memref<8192x2048xf32, #tpu.memory_space<hbm>> -> memref<32x2048xf32, #tpu.memory_space<hbm>>
      %dma_start3A_27 = arith.constant 0 : i32
      %dma_start3A_28 = arith.constant 0 : i32
      %dma_start3A_29 = tpu.memref_slice %arg4[%dma_start3A_27, %dma_start3A_28] : memref<48x2048xf32, #tpu.memory_space<vmem>> -> memref<32x2048xf32, #tpu.memory_space<vmem>>
      %dma_start3A_30 = arith.constant 0 : i32
      %dma_start3A_31 = tpu.memref_slice %arg2[%add3A_17, %dma_start3A_30] : memref<8192x2048xf32, #tpu.memory_space<hbm>> -> memref<32x2048xf32, #tpu.memory_space<hbm>>
      tpu.enqueue_dma source(%dma_start3A_31 : memref<32x2048xf32, #tpu.memory_space<hbm>>) target(%dma_start3A_29 : memref<32x2048xf32, #tpu.memory_space<vmem>>) target_semaphore(%run_scoped3A_22 : memref<!tpu.dma_semaphore, #tpu.memory_space<semaphore_mem>>)
      %dma_wait3A = arith.constant 0 : i32
      %dma_wait3A_32 = arith.constant 0 : i32
      %dma_wait3A_33 = tpu.memref_slice %arg4[%dma_wait3A, %dma_wait3A_32] : memref<48x2048xf32, #tpu.memory_space<vmem>> -> memref<32x2048xf32, #tpu.memory_space<vmem>>
      %dma_wait3A_34 = arith.constant 0 : i32
      %dma_wait3A_35 = tpu.memref_slice %arg2[%add3A_17, %dma_wait3A_34] : memref<8192x2048xf32, #tpu.memory_space<hbm>> -> memref<32x2048xf32, #tpu.memory_space<hbm>>
      %dma_wait3A_36 = arith.constant 0 : i32
      %dma_wait3A_37 = arith.constant 0 : i32
      %dma_wait3A_38 = tpu.memref_slice %arg4[%dma_wait3A_36, %dma_wait3A_37] : memref<48x2048xf32, #tpu.memory_space<vmem>> -> memref<32x2048xf32, #tpu.memory_space<vmem>>
      %dma_wait3A_39 = arith.constant 0 : i32
      %dma_wait3A_40 = tpu.memref_slice %arg2[%add3A_17, %dma_wait3A_39] : memref<8192x2048xf32, #tpu.memory_space<hbm>> -> memref<32x2048xf32, #tpu.memory_space<hbm>>
      tpu.wait_dma2 semaphore(%run_scoped3A_22 : memref<!tpu.dma_semaphore, #tpu.memory_space<semaphore_mem>>) src(%dma_wait3A_40 : memref<32x2048xf32, #tpu.memory_space<hbm>>) dst(%dma_wait3A_38 : memref<32x2048xf32, #tpu.memory_space<vmem>>)
      tpu.yield
    }) : () -> ()
    %run_scoped3A_18 = arith.constant 0 : i32
    "tpu.region"() ({
      %run_scoped3A_22 = tpu.sem_alloc : memref<!tpu.dma_semaphore, #tpu.memory_space<semaphore_mem>>
      %dma_start3A = arith.constant 0 : i32
      %dma_start3A_23 = arith.constant 0 : i32
      %dma_start3A_24 = tpu.memref_slice %arg4[%dma_start3A, %dma_start3A_23] : memref<48x2048xf32, #tpu.memory_space<vmem>> -> memref<32x2048xf32, #tpu.memory_space<vmem>>
      %dma_start3A_25 = arith.constant 0 : i32
      %dma_start3A_26 = tpu.memref_slice %arg3[%run_scoped3A_18, %add3A_17, %dma_start3A_25] : memref<4x8192x2048xf32, #tpu.memory_space<hbm>> -> memref<1x32x2048xf32, #tpu.memory_space<hbm>>
      %dma_start3A_27 = tpu.memref_squeeze %dma_start3A_26 : memref<1x32x2048xf32, #tpu.memory_space<hbm>> -> memref<32x2048xf32, #tpu.memory_space<hbm>>
      %dma_start3A_28 = arith.constant 0 : i32
      %dma_start3A_29 = tpu.memref_slice %arg3[%run_scoped3A_18, %add3A_17, %dma_start3A_28] : memref<4x8192x2048xf32, #tpu.memory_space<hbm>> -> memref<1x32x2048xf32, #tpu.memory_space<hbm>>
      %dma_start3A_30 = tpu.memref_squeeze %dma_start3A_29 : memref<1x32x2048xf32, #tpu.memory_space<hbm>> -> memref<32x2048xf32, #tpu.memory_space<hbm>>
      %dma_start3A_31 = arith.constant 0 : i32
      %dma_start3A_32 = arith.constant 0 : i32
      %dma_start3A_33 = tpu.memref_slice %arg4[%dma_start3A_31, %dma_start3A_32] : memref<48x2048xf32, #tpu.memory_space<vmem>> -> memref<32x2048xf32, #tpu.memory_space<vmem>>
      tpu.enqueue_dma source(%dma_start3A_33 : memref<32x2048xf32, #tpu.memory_space<vmem>>) target(%dma_start3A_30 : memref<32x2048xf32, #tpu.memory_space<hbm>>) target_semaphore(%run_scoped3A_22 : memref<!tpu.dma_semaphore, #tpu.memory_space<semaphore_mem>>)
      %dma_wait3A = arith.constant 0 : i32
      %dma_wait3A_34 = arith.constant 0 : i32
      %dma_wait3A_35 = tpu.memref_slice %arg4[%dma_wait3A, %dma_wait3A_34] : memref<48x2048xf32, #tpu.memory_space<vmem>> -> memref<32x2048xf32, #tpu.memory_space<vmem>>
      %dma_wait3A_36 = arith.constant 0 : i32
      %dma_wait3A_37 = tpu.memref_slice %arg3[%run_scoped3A_18, %add3A_17, %dma_wait3A_36] : memref<4x8192x2048xf32, #tpu.memory_space<hbm>> -> memref<1x32x2048xf32, #tpu.memory_space<hbm>>
      %dma_wait3A_38 = tpu.memref_squeeze %dma_wait3A_37 : memref<1x32x2048xf32, #tpu.memory_space<hbm>> -> memref<32x2048xf32, #tpu.memory_space<hbm>>
      %dma_wait3A_39 = arith.constant 0 : i32
      %dma_wait3A_40 = tpu.memref_slice %arg3[%run_scoped3A_18, %add3A_17, %dma_wait3A_39] : memref<4x8192x2048xf32, #tpu.memory_space<hbm>> -> memref<1x32x2048xf32, #tpu.memory_space<hbm>>
      %dma_wait3A_41 = tpu.memref_squeeze %dma_wait3A_40 : memref<1x32x2048xf32, #tpu.memory_space<hbm>> -> memref<32x2048xf32, #tpu.memory_space<hbm>>
      %dma_wait3A_42 = arith.constant 0 : i32
      %dma_wait3A_43 = arith.constant 0 : i32
      %dma_wait3A_44 = tpu.memref_slice %arg4[%dma_wait3A_42, %dma_wait3A_43] : memref<48x2048xf32, #tpu.memory_space<vmem>> -> memref<32x2048xf32, #tpu.memory_space<vmem>>
      tpu.wait_dma2 semaphore(%run_scoped3A_22 : memref<!tpu.dma_semaphore, #tpu.memory_space<semaphore_mem>>) src(%dma_wait3A_44 : memref<32x2048xf32, #tpu.memory_space<vmem>>) dst(%dma_wait3A_41 : memref<32x2048xf32, #tpu.memory_space<hbm>>)
      tpu.yield
    }) : () -> ()
    %run_scoped3A_19 = arith.constant 1 : i32
    "tpu.region"() ({
      %run_scoped3A_22 = tpu.sem_alloc : memref<!tpu.dma_semaphore, #tpu.memory_space<semaphore_mem>>
      %dma_start3A = arith.constant 0 : i32
      %dma_start3A_23 = arith.constant 0 : i32
      %dma_start3A_24 = tpu.memref_slice %arg4[%dma_start3A, %dma_start3A_23] : memref<48x2048xf32, #tpu.memory_space<vmem>> -> memref<32x2048xf32, #tpu.memory_space<vmem>>
      %dma_start3A_25 = arith.constant 0 : i32
      %dma_start3A_26 = tpu.memref_slice %arg3[%run_scoped3A_19, %add3A_17, %dma_start3A_25] : memref<4x8192x2048xf32, #tpu.memory_space<hbm>> -> memref<1x32x2048xf32, #tpu.memory_space<hbm>>
      %dma_start3A_27 = tpu.memref_squeeze %dma_start3A_26 : memref<1x32x2048xf32, #tpu.memory_space<hbm>> -> memref<32x2048xf32, #tpu.memory_space<hbm>>
      %dma_start3A_28 = arith.constant 0 : i32
      %dma_start3A_29 = tpu.memref_slice %arg3[%run_scoped3A_19, %add3A_17, %dma_start3A_28] : memref<4x8192x2048xf32, #tpu.memory_space<hbm>> -> memref<1x32x2048xf32, #tpu.memory_space<hbm>>
      %dma_start3A_30 = tpu.memref_squeeze %dma_start3A_29 : memref<1x32x2048xf32, #tpu.memory_space<hbm>> -> memref<32x2048xf32, #tpu.memory_space<hbm>>
      %dma_start3A_31 = arith.constant 0 : i32
      %dma_start3A_32 = arith.constant 0 : i32
      %dma_start3A_33 = tpu.memref_slice %arg4[%dma_start3A_31, %dma_start3A_32] : memref<48x2048xf32, #tpu.memory_space<vmem>> -> memref<32x2048xf32, #tpu.memory_space<vmem>>
      tpu.enqueue_dma source(%dma_start3A_33 : memref<32x2048xf32, #tpu.memory_space<vmem>>) target(%dma_start3A_30 : memref<32x2048xf32, #tpu.memory_space<hbm>>) target_semaphore(%run_scoped3A_22 : memref<!tpu.dma_semaphore, #tpu.memory_space<semaphore_mem>>)
      %dma_wait3A = arith.constant 0 : i32
      %dma_wait3A_34 = arith.constant 0 : i32
      %dma_wait3A_35 = tpu.memref_slice %arg4[%dma_wait3A, %dma_wait3A_34] : memref<48x2048xf32, #tpu.memory_space<vmem>> -> memref<32x2048xf32, #tpu.memory_space<vmem>>
      %dma_wait3A_36 = arith.constant 0 : i32
      %dma_wait3A_37 = tpu.memref_slice %arg3[%run_scoped3A_19, %add3A_17, %dma_wait3A_36] : memref<4x8192x2048xf32, #tpu.memory_space<hbm>> -> memref<1x32x2048xf32, #tpu.memory_space<hbm>>
      %dma_wait3A_38 = tpu.memref_squeeze %dma_wait3A_37 : memref<1x32x2048xf32, #tpu.memory_space<hbm>> -> memref<32x2048xf32, #tpu.memory_space<hbm>>
      %dma_wait3A_39 = arith.constant 0 : i32
      %dma_wait3A_40 = tpu.memref_slice %arg3[%run_scoped3A_19, %add3A_17, %dma_wait3A_39] : memref<4x8192x2048xf32, #tpu.memory_space<hbm>> -> memref<1x32x2048xf32, #tpu.memory_space<hbm>>
      %dma_wait3A_41 = tpu.memref_squeeze %dma_wait3A_40 : memref<1x32x2048xf32, #tpu.memory_space<hbm>> -> memref<32x2048xf32, #tpu.memory_space<hbm>>
      %dma_wait3A_42 = arith.constant 0 : i32
      %dma_wait3A_43 = arith.constant 0 : i32
      %dma_wait3A_44 = tpu.memref_slice %arg4[%dma_wait3A_42, %dma_wait3A_43] : memref<48x2048xf32, #tpu.memory_space<vmem>> -> memref<32x2048xf32, #tpu.memory_space<vmem>>
      tpu.wait_dma2 semaphore(%run_scoped3A_22 : memref<!tpu.dma_semaphore, #tpu.memory_space<semaphore_mem>>) src(%dma_wait3A_44 : memref<32x2048xf32, #tpu.memory_space<vmem>>) dst(%dma_wait3A_41 : memref<32x2048xf32, #tpu.memory_space<hbm>>)
      tpu.yield
    }) : () -> ()
    %run_scoped3A_20 = arith.constant 2 : i32
    "tpu.region"() ({
      %run_scoped3A_22 = tpu.sem_alloc : memref<!tpu.dma_semaphore, #tpu.memory_space<semaphore_mem>>
      %dma_start3A = arith.constant 0 : i32
      %dma_start3A_23 = arith.constant 0 : i32
      %dma_start3A_24 = tpu.memref_slice %arg4[%dma_start3A, %dma_start3A_23] : memref<48x2048xf32, #tpu.memory_space<vmem>> -> memref<32x2048xf32, #tpu.memory_space<vmem>>
      %dma_start3A_25 = arith.constant 0 : i32
      %dma_start3A_26 = tpu.memref_slice %arg3[%run_scoped3A_20, %add3A_17, %dma_start3A_25] : memref<4x8192x2048xf32, #tpu.memory_space<hbm>> -> memref<1x32x2048xf32, #tpu.memory_space<hbm>>
      %dma_start3A_27 = tpu.memref_squeeze %dma_start3A_26 : memref<1x32x2048xf32, #tpu.memory_space<hbm>> -> memref<32x2048xf32, #tpu.memory_space<hbm>>
      %dma_start3A_28 = arith.constant 0 : i32
      %dma_start3A_29 = tpu.memref_slice %arg3[%run_scoped3A_20, %add3A_17, %dma_start3A_28] : memref<4x8192x2048xf32, #tpu.memory_space<hbm>> -> memref<1x32x2048xf32, #tpu.memory_space<hbm>>
      %dma_start3A_30 = tpu.memref_squeeze %dma_start3A_29 : memref<1x32x2048xf32, #tpu.memory_space<hbm>> -> memref<32x2048xf32, #tpu.memory_space<hbm>>
      %dma_start3A_31 = arith.constant 0 : i32
      %dma_start3A_32 = arith.constant 0 : i32
      %dma_start3A_33 = tpu.memref_slice %arg4[%dma_start3A_31, %dma_start3A_32] : memref<48x2048xf32, #tpu.memory_space<vmem>> -> memref<32x2048xf32, #tpu.memory_space<vmem>>
      tpu.enqueue_dma source(%dma_start3A_33 : memref<32x2048xf32, #tpu.memory_space<vmem>>) target(%dma_start3A_30 : memref<32x2048xf32, #tpu.memory_space<hbm>>) target_semaphore(%run_scoped3A_22 : memref<!tpu.dma_semaphore, #tpu.memory_space<semaphore_mem>>)
      %dma_wait3A = arith.constant 0 : i32
      %dma_wait3A_34 = arith.constant 0 : i32
      %dma_wait3A_35 = tpu.memref_slice %arg4[%dma_wait3A, %dma_wait3A_34] : memref<48x2048xf32, #tpu.memory_space<vmem>> -> memref<32x2048xf32, #tpu.memory_space<vmem>>
      %dma_wait3A_36 = arith.constant 0 : i32
      %dma_wait3A_37 = tpu.memref_slice %arg3[%run_scoped3A_20, %add3A_17, %dma_wait3A_36] : memref<4x8192x2048xf32, #tpu.memory_space<hbm>> -> memref<1x32x2048xf32, #tpu.memory_space<hbm>>
      %dma_wait3A_38 = tpu.memref_squeeze %dma_wait3A_37 : memref<1x32x2048xf32, #tpu.memory_space<hbm>> -> memref<32x2048xf32, #tpu.memory_space<hbm>>
      %dma_wait3A_39 = arith.constant 0 : i32
      %dma_wait3A_40 = tpu.memref_slice %arg3[%run_scoped3A_20, %add3A_17, %dma_wait3A_39] : memref<4x8192x2048xf32, #tpu.memory_space<hbm>> -> memref<1x32x2048xf32, #tpu.memory_space<hbm>>
      %dma_wait3A_41 = tpu.memref_squeeze %dma_wait3A_40 : memref<1x32x2048xf32, #tpu.memory_space<hbm>> -> memref<32x2048xf32, #tpu.memory_space<hbm>>
      %dma_wait3A_42 = arith.constant 0 : i32
      %dma_wait3A_43 = arith.constant 0 : i32
      %dma_wait3A_44 = tpu.memref_slice %arg4[%dma_wait3A_42, %dma_wait3A_43] : memref<48x2048xf32, #tpu.memory_space<vmem>> -> memref<32x2048xf32, #tpu.memory_space<vmem>>
      tpu.wait_dma2 semaphore(%run_scoped3A_22 : memref<!tpu.dma_semaphore, #tpu.memory_space<semaphore_mem>>) src(%dma_wait3A_44 : memref<32x2048xf32, #tpu.memory_space<vmem>>) dst(%dma_wait3A_41 : memref<32x2048xf32, #tpu.memory_space<hbm>>)
      tpu.yield
    }) : () -> ()
    %run_scoped3A_21 = arith.constant 3 : i32
    "tpu.region"() ({
      %run_scoped3A_22 = tpu.sem_alloc : memref<!tpu.dma_semaphore, #tpu.memory_space<semaphore_mem>>
      %dma_start3A = arith.constant 0 : i32
      %dma_start3A_23 = arith.constant 0 : i32
      %dma_start3A_24 = tpu.memref_slice %arg4[%dma_start3A, %dma_start3A_23] : memref<48x2048xf32, #tpu.memory_space<vmem>> -> memref<32x2048xf32, #tpu.memory_space<vmem>>
      %dma_start3A_25 = arith.constant 0 : i32
      %dma_start3A_26 = tpu.memref_slice %arg3[%run_scoped3A_21, %add3A_17, %dma_start3A_25] : memref<4x8192x2048xf32, #tpu.memory_space<hbm>> -> memref<1x32x2048xf32, #tpu.memory_space<hbm>>
      %dma_start3A_27 = tpu.memref_squeeze %dma_start3A_26 : memref<1x32x2048xf32, #tpu.memory_space<hbm>> -> memref<32x2048xf32, #tpu.memory_space<hbm>>
      %dma_start3A_28 = arith.constant 0 : i32
      %dma_start3A_29 = tpu.memref_slice %arg3[%run_scoped3A_21, %add3A_17, %dma_start3A_28] : memref<4x8192x2048xf32, #tpu.memory_space<hbm>> -> memref<1x32x2048xf32, #tpu.memory_space<hbm>>
      %dma_start3A_30 = tpu.memref_squeeze %dma_start3A_29 : memref<1x32x2048xf32, #tpu.memory_space<hbm>> -> memref<32x2048xf32, #tpu.memory_space<hbm>>
      %dma_start3A_31 = arith.constant 0 : i32
      %dma_start3A_32 = arith.constant 0 : i32
      %dma_start3A_33 = tpu.memref_slice %arg4[%dma_start3A_31, %dma_start3A_32] : memref<48x2048xf32, #tpu.memory_space<vmem>> -> memref<32x2048xf32, #tpu.memory_space<vmem>>
      tpu.enqueue_dma source(%dma_start3A_33 : memref<32x2048xf32, #tpu.memory_space<vmem>>) target(%dma_start3A_30 : memref<32x2048xf32, #tpu.memory_space<hbm>>) target_semaphore(%run_scoped3A_22 : memref<!tpu.dma_semaphore, #tpu.memory_space<semaphore_mem>>)
      %dma_wait3A = arith.constant 0 : i32
      %dma_wait3A_34 = arith.constant 0 : i32
      %dma_wait3A_35 = tpu.memref_slice %arg4[%dma_wait3A, %dma_wait3A_34] : memref<48x2048xf32, #tpu.memory_space<vmem>> -> memref<32x2048xf32, #tpu.memory_space<vmem>>
      %dma_wait3A_36 = arith.constant 0 : i32
      %dma_wait3A_37 = tpu.memref_slice %arg3[%run_scoped3A_21, %add3A_17, %dma_wait3A_36] : memref<4x8192x2048xf32, #tpu.memory_space<hbm>> -> memref<1x32x2048xf32, #tpu.memory_space<hbm>>
      %dma_wait3A_38 = tpu.memref_squeeze %dma_wait3A_37 : memref<1x32x2048xf32, #tpu.memory_space<hbm>> -> memref<32x2048xf32, #tpu.memory_space<hbm>>
      %dma_wait3A_39 = arith.constant 0 : i32
      %dma_wait3A_40 = tpu.memref_slice %arg3[%run_scoped3A_21, %add3A_17, %dma_wait3A_39] : memref<4x8192x2048xf32, #tpu.memory_space<hbm>> -> memref<1x32x2048xf32, #tpu.memory_space<hbm>>
      %dma_wait3A_41 = tpu.memref_squeeze %dma_wait3A_40 : memref<1x32x2048xf32, #tpu.memory_space<hbm>> -> memref<32x2048xf32, #tpu.memory_space<hbm>>
      %dma_wait3A_42 = arith.constant 0 : i32
      %dma_wait3A_43 = arith.constant 0 : i32
      %dma_wait3A_44 = tpu.memref_slice %arg4[%dma_wait3A_42, %dma_wait3A_43] : memref<48x2048xf32, #tpu.memory_space<vmem>> -> memref<32x2048xf32, #tpu.memory_space<vmem>>
      tpu.wait_dma2 semaphore(%run_scoped3A_22 : memref<!tpu.dma_semaphore, #tpu.memory_space<semaphore_mem>>) src(%dma_wait3A_44 : memref<32x2048xf32, #tpu.memory_space<vmem>>) dst(%dma_wait3A_41 : memref<32x2048xf32, #tpu.memory_space<hbm>>)
      tpu.yield
    }) : () -> ()
    return
  }
}

module attributes {stable_mosaic.version = 14 : i64} {
  func.func @_tc_body(%arg0: memref<8192x2048xf32, #tpu.memory_space<hbm>>, %arg1: memref<4x8192x2048xf32, #tpu.memory_space<hbm>>, %arg2: memref<4x8192x2048xf32, #tpu.memory_space<hbm>>, %arg3: memref<2x2048x2048xf32, #tpu.memory_space<vmem>>, %arg4: memref<2x!tpu.dma_semaphore, #tpu.memory_space<semaphore_mem>>, %arg5: memref<2x!tpu.dma_semaphore, #tpu.memory_space<semaphore_mem>>) attributes {dimension_semantics = [], scalar_prefetch = 0 : i64, scratch_operands = 3 : i64, tpu.core_type = #tpu.core_type<tc>} {
    %dma_start3A = arith.constant 0 : i32
    %dma_start3A_0 = arith.constant 0 : i32
    %dma_start3A_1 = tpu.memref_slice %arg4[%dma_start3A_0] : memref<2x!tpu.dma_semaphore, #tpu.memory_space<semaphore_mem>> -> memref<1x!tpu.dma_semaphore, #tpu.memory_space<semaphore_mem>>
    %dma_start3A_2 = tpu.memref_squeeze %dma_start3A_1 : memref<1x!tpu.dma_semaphore, #tpu.memory_space<semaphore_mem>> -> memref<!tpu.dma_semaphore, #tpu.memory_space<semaphore_mem>>
    %dma_start3A_3 = arith.constant 0 : i32
    %dma_start3A_4 = arith.constant 0 : i32
    %dma_start3A_5 = tpu.memref_slice %arg3[%dma_start3A, %dma_start3A_3, %dma_start3A_4] : memref<2x2048x2048xf32, #tpu.memory_space<vmem>> -> memref<1x2048x2048xf32, #tpu.memory_space<vmem>>
    %dma_start3A_6 = tpu.memref_squeeze %dma_start3A_5 : memref<1x2048x2048xf32, #tpu.memory_space<vmem>> -> memref<2048x2048xf32, #tpu.memory_space<vmem>>
    %dma_start3A_7 = arith.constant 0 : i32
    %dma_start3A_8 = arith.constant 0 : i32
    %dma_start3A_9 = tpu.memref_slice %arg0[%dma_start3A_7, %dma_start3A_8] : memref<8192x2048xf32, #tpu.memory_space<hbm>> -> memref<2048x2048xf32, #tpu.memory_space<hbm>>
    tpu.enqueue_dma source(%dma_start3A_9 : memref<2048x2048xf32, #tpu.memory_space<hbm>>) target(%dma_start3A_6 : memref<2048x2048xf32, #tpu.memory_space<vmem>>) target_semaphore(%dma_start3A_2 : memref<!tpu.dma_semaphore, #tpu.memory_space<semaphore_mem>>)
    %dma_start3A_10 = arith.constant 1 : i32
    %dma_start3A_11 = arith.constant 1 : i32
    %dma_start3A_12 = tpu.memref_slice %arg4[%dma_start3A_11] : memref<2x!tpu.dma_semaphore, #tpu.memory_space<semaphore_mem>> -> memref<1x!tpu.dma_semaphore, #tpu.memory_space<semaphore_mem>>
    %dma_start3A_13 = tpu.memref_squeeze %dma_start3A_12 : memref<1x!tpu.dma_semaphore, #tpu.memory_space<semaphore_mem>> -> memref<!tpu.dma_semaphore, #tpu.memory_space<semaphore_mem>>
    %dma_start3A_14 = arith.constant 0 : i32
    %dma_start3A_15 = arith.constant 0 : i32
    %dma_start3A_16 = tpu.memref_slice %arg3[%dma_start3A_10, %dma_start3A_14, %dma_start3A_15] : memref<2x2048x2048xf32, #tpu.memory_space<vmem>> -> memref<1x2048x2048xf32, #tpu.memory_space<vmem>>
    %dma_start3A_17 = tpu.memref_squeeze %dma_start3A_16 : memref<1x2048x2048xf32, #tpu.memory_space<vmem>> -> memref<2048x2048xf32, #tpu.memory_space<vmem>>
    %dma_start3A_18 = arith.constant 2048 : i32
    %dma_start3A_19 = arith.constant 0 : i32
    %dma_start3A_20 = tpu.memref_slice %arg0[%dma_start3A_18, %dma_start3A_19] : memref<8192x2048xf32, #tpu.memory_space<hbm>> -> memref<2048x2048xf32, #tpu.memory_space<hbm>>
    tpu.enqueue_dma source(%dma_start3A_20 : memref<2048x2048xf32, #tpu.memory_space<hbm>>) target(%dma_start3A_17 : memref<2048x2048xf32, #tpu.memory_space<vmem>>) target_semaphore(%dma_start3A_13 : memref<!tpu.dma_semaphore, #tpu.memory_space<semaphore_mem>>)
    %scan3A = arith.constant 0 : i32
    %mul3A = arith.constant 2 : i32
    %mul3A_21 = arith.muli %scan3A, %mul3A : i32
    %add3A = arith.constant 0 : i32
    %add3A_22 = arith.addi %mul3A_21, %add3A : i32
    %mul3A_23 = arith.constant 2048 : i32
    %mul3A_24 = arith.muli %add3A_22, %mul3A_23 : i32
    %dma_wait3A = arith.constant 0 : i32
    %dma_wait3A_25 = arith.constant 0 : i32
    %dma_wait3A_26 = tpu.memref_slice %arg4[%dma_wait3A_25] : memref<2x!tpu.dma_semaphore, #tpu.memory_space<semaphore_mem>> -> memref<1x!tpu.dma_semaphore, #tpu.memory_space<semaphore_mem>>
    %dma_wait3A_27 = tpu.memref_squeeze %dma_wait3A_26 : memref<1x!tpu.dma_semaphore, #tpu.memory_space<semaphore_mem>> -> memref<!tpu.dma_semaphore, #tpu.memory_space<semaphore_mem>>
    %dma_wait3A_28 = arith.constant 0 : i32
    %dma_wait3A_29 = arith.constant 0 : i32
    %dma_wait3A_30 = tpu.memref_slice %arg3[%dma_wait3A, %dma_wait3A_28, %dma_wait3A_29] : memref<2x2048x2048xf32, #tpu.memory_space<vmem>> -> memref<1x2048x2048xf32, #tpu.memory_space<vmem>>
    %dma_wait3A_31 = tpu.memref_squeeze %dma_wait3A_30 : memref<1x2048x2048xf32, #tpu.memory_space<vmem>> -> memref<2048x2048xf32, #tpu.memory_space<vmem>>
    %dma_wait3A_32 = arith.constant 0 : i32
    %dma_wait3A_33 = tpu.memref_slice %arg0[%mul3A_24, %dma_wait3A_32] : memref<8192x2048xf32, #tpu.memory_space<hbm>> -> memref<2048x2048xf32, #tpu.memory_space<hbm>>
    tpu.wait_dma2 semaphore(%dma_wait3A_27 : memref<!tpu.dma_semaphore, #tpu.memory_space<semaphore_mem>>) src(%dma_wait3A_33 : memref<2048x2048xf32, #tpu.memory_space<hbm>>) dst(%dma_wait3A_31 : memref<2048x2048xf32, #tpu.memory_space<vmem>>)
    %mul3A_34 = arith.constant 2048 : i32
    %mul3A_35 = arith.muli %add3A_22, %mul3A_34 : i32
    %dma_start3A_36 = arith.constant 0 : i32
    %dma_start3A_37 = arith.constant 0 : i32
    %dma_start3A_38 = arith.constant 0 : i32
    %dma_start3A_39 = tpu.memref_slice %arg5[%dma_start3A_38] : memref<2x!tpu.dma_semaphore, #tpu.memory_space<semaphore_mem>> -> memref<1x!tpu.dma_semaphore, #tpu.memory_space<semaphore_mem>>
    %dma_start3A_40 = tpu.memref_squeeze %dma_start3A_39 : memref<1x!tpu.dma_semaphore, #tpu.memory_space<semaphore_mem>> -> memref<!tpu.dma_semaphore, #tpu.memory_space<semaphore_mem>>
    %dma_start3A_41 = arith.constant 0 : i32
    %dma_start3A_42 = tpu.memref_slice %arg2[%dma_start3A_37, %mul3A_35, %dma_start3A_41] : memref<4x8192x2048xf32, #tpu.memory_space<hbm>> -> memref<1x2048x2048xf32, #tpu.memory_space<hbm>>
    %dma_start3A_43 = tpu.memref_squeeze %dma_start3A_42 : memref<1x2048x2048xf32, #tpu.memory_space<hbm>> -> memref<2048x2048xf32, #tpu.memory_space<hbm>>
    %dma_start3A_44 = arith.constant 0 : i32
    %dma_start3A_45 = arith.constant 0 : i32
    %dma_start3A_46 = tpu.memref_slice %arg3[%dma_start3A_36, %dma_start3A_44, %dma_start3A_45] : memref<2x2048x2048xf32, #tpu.memory_space<vmem>> -> memref<1x2048x2048xf32, #tpu.memory_space<vmem>>
    %dma_start3A_47 = tpu.memref_squeeze %dma_start3A_46 : memref<1x2048x2048xf32, #tpu.memory_space<vmem>> -> memref<2048x2048xf32, #tpu.memory_space<vmem>>
    tpu.enqueue_dma source(%dma_start3A_47 : memref<2048x2048xf32, #tpu.memory_space<vmem>>) target(%dma_start3A_43 : memref<2048x2048xf32, #tpu.memory_space<hbm>>) target_semaphore(%dma_start3A_40 : memref<!tpu.dma_semaphore, #tpu.memory_space<semaphore_mem>>)
    %mul3A_48 = arith.constant 2048 : i32
    %mul3A_49 = arith.muli %add3A_22, %mul3A_48 : i32
    %dma_start3A_50 = arith.constant 0 : i32
    %dma_start3A_51 = arith.constant 1 : i32
    %dma_start3A_52 = arith.constant 0 : i32
    %dma_start3A_53 = tpu.memref_slice %arg5[%dma_start3A_52] : memref<2x!tpu.dma_semaphore, #tpu.memory_space<semaphore_mem>> -> memref<1x!tpu.dma_semaphore, #tpu.memory_space<semaphore_mem>>
    %dma_start3A_54 = tpu.memref_squeeze %dma_start3A_53 : memref<1x!tpu.dma_semaphore, #tpu.memory_space<semaphore_mem>> -> memref<!tpu.dma_semaphore, #tpu.memory_space<semaphore_mem>>
    %dma_start3A_55 = arith.constant 0 : i32
    %dma_start3A_56 = tpu.memref_slice %arg2[%dma_start3A_51, %mul3A_49, %dma_start3A_55] : memref<4x8192x2048xf32, #tpu.memory_space<hbm>> -> memref<1x2048x2048xf32, #tpu.memory_space<hbm>>
    %dma_start3A_57 = tpu.memref_squeeze %dma_start3A_56 : memref<1x2048x2048xf32, #tpu.memory_space<hbm>> -> memref<2048x2048xf32, #tpu.memory_space<hbm>>
    %dma_start3A_58 = arith.constant 0 : i32
    %dma_start3A_59 = arith.constant 0 : i32
    %dma_start3A_60 = tpu.memref_slice %arg3[%dma_start3A_50, %dma_start3A_58, %dma_start3A_59] : memref<2x2048x2048xf32, #tpu.memory_space<vmem>> -> memref<1x2048x2048xf32, #tpu.memory_space<vmem>>
    %dma_start3A_61 = tpu.memref_squeeze %dma_start3A_60 : memref<1x2048x2048xf32, #tpu.memory_space<vmem>> -> memref<2048x2048xf32, #tpu.memory_space<vmem>>
    tpu.enqueue_dma source(%dma_start3A_61 : memref<2048x2048xf32, #tpu.memory_space<vmem>>) target(%dma_start3A_57 : memref<2048x2048xf32, #tpu.memory_space<hbm>>) target_semaphore(%dma_start3A_54 : memref<!tpu.dma_semaphore, #tpu.memory_space<semaphore_mem>>)
    %mul3A_62 = arith.constant 2048 : i32
    %mul3A_63 = arith.muli %add3A_22, %mul3A_62 : i32
    %dma_start3A_64 = arith.constant 0 : i32
    %dma_start3A_65 = arith.constant 2 : i32
    %dma_start3A_66 = arith.constant 0 : i32
    %dma_start3A_67 = tpu.memref_slice %arg5[%dma_start3A_66] : memref<2x!tpu.dma_semaphore, #tpu.memory_space<semaphore_mem>> -> memref<1x!tpu.dma_semaphore, #tpu.memory_space<semaphore_mem>>
    %dma_start3A_68 = tpu.memref_squeeze %dma_start3A_67 : memref<1x!tpu.dma_semaphore, #tpu.memory_space<semaphore_mem>> -> memref<!tpu.dma_semaphore, #tpu.memory_space<semaphore_mem>>
    %dma_start3A_69 = arith.constant 0 : i32
    %dma_start3A_70 = tpu.memref_slice %arg2[%dma_start3A_65, %mul3A_63, %dma_start3A_69] : memref<4x8192x2048xf32, #tpu.memory_space<hbm>> -> memref<1x2048x2048xf32, #tpu.memory_space<hbm>>
    %dma_start3A_71 = tpu.memref_squeeze %dma_start3A_70 : memref<1x2048x2048xf32, #tpu.memory_space<hbm>> -> memref<2048x2048xf32, #tpu.memory_space<hbm>>
    %dma_start3A_72 = arith.constant 0 : i32
    %dma_start3A_73 = arith.constant 0 : i32
    %dma_start3A_74 = tpu.memref_slice %arg3[%dma_start3A_64, %dma_start3A_72, %dma_start3A_73] : memref<2x2048x2048xf32, #tpu.memory_space<vmem>> -> memref<1x2048x2048xf32, #tpu.memory_space<vmem>>
    %dma_start3A_75 = tpu.memref_squeeze %dma_start3A_74 : memref<1x2048x2048xf32, #tpu.memory_space<vmem>> -> memref<2048x2048xf32, #tpu.memory_space<vmem>>
    tpu.enqueue_dma source(%dma_start3A_75 : memref<2048x2048xf32, #tpu.memory_space<vmem>>) target(%dma_start3A_71 : memref<2048x2048xf32, #tpu.memory_space<hbm>>) target_semaphore(%dma_start3A_68 : memref<!tpu.dma_semaphore, #tpu.memory_space<semaphore_mem>>)
    %mul3A_76 = arith.constant 2048 : i32
    %mul3A_77 = arith.muli %add3A_22, %mul3A_76 : i32
    %dma_start3A_78 = arith.constant 0 : i32
    %dma_start3A_79 = arith.constant 3 : i32
    %dma_start3A_80 = arith.constant 0 : i32
    %dma_start3A_81 = tpu.memref_slice %arg5[%dma_start3A_80] : memref<2x!tpu.dma_semaphore, #tpu.memory_space<semaphore_mem>> -> memref<1x!tpu.dma_semaphore, #tpu.memory_space<semaphore_mem>>
    %dma_start3A_82 = tpu.memref_squeeze %dma_start3A_81 : memref<1x!tpu.dma_semaphore, #tpu.memory_space<semaphore_mem>> -> memref<!tpu.dma_semaphore, #tpu.memory_space<semaphore_mem>>
    %dma_start3A_83 = arith.constant 0 : i32
    %dma_start3A_84 = tpu.memref_slice %arg2[%dma_start3A_79, %mul3A_77, %dma_start3A_83] : memref<4x8192x2048xf32, #tpu.memory_space<hbm>> -> memref<1x2048x2048xf32, #tpu.memory_space<hbm>>
    %dma_start3A_85 = tpu.memref_squeeze %dma_start3A_84 : memref<1x2048x2048xf32, #tpu.memory_space<hbm>> -> memref<2048x2048xf32, #tpu.memory_space<hbm>>
    %dma_start3A_86 = arith.constant 0 : i32
    %dma_start3A_87 = arith.constant 0 : i32
    %dma_start3A_88 = tpu.memref_slice %arg3[%dma_start3A_78, %dma_start3A_86, %dma_start3A_87] : memref<2x2048x2048xf32, #tpu.memory_space<vmem>> -> memref<1x2048x2048xf32, #tpu.memory_space<vmem>>
    %dma_start3A_89 = tpu.memref_squeeze %dma_start3A_88 : memref<1x2048x2048xf32, #tpu.memory_space<vmem>> -> memref<2048x2048xf32, #tpu.memory_space<vmem>>
    tpu.enqueue_dma source(%dma_start3A_89 : memref<2048x2048xf32, #tpu.memory_space<vmem>>) target(%dma_start3A_85 : memref<2048x2048xf32, #tpu.memory_space<hbm>>) target_semaphore(%dma_start3A_82 : memref<!tpu.dma_semaphore, #tpu.memory_space<semaphore_mem>>)
    %mul3A_90 = arith.constant 2 : i32
    %mul3A_91 = arith.muli %scan3A, %mul3A_90 : i32
    %add3A_92 = arith.constant 1 : i32
    %add3A_93 = arith.addi %mul3A_91, %add3A_92 : i32
    %mul3A_94 = arith.constant 2048 : i32
    %mul3A_95 = arith.muli %add3A_93, %mul3A_94 : i32
    %dma_wait3A_96 = arith.constant 1 : i32
    %dma_wait3A_97 = arith.constant 1 : i32
    %dma_wait3A_98 = tpu.memref_slice %arg4[%dma_wait3A_97] : memref<2x!tpu.dma_semaphore, #tpu.memory_space<semaphore_mem>> -> memref<1x!tpu.dma_semaphore, #tpu.memory_space<semaphore_mem>>
    %dma_wait3A_99 = tpu.memref_squeeze %dma_wait3A_98 : memref<1x!tpu.dma_semaphore, #tpu.memory_space<semaphore_mem>> -> memref<!tpu.dma_semaphore, #tpu.memory_space<semaphore_mem>>
    %dma_wait3A_100 = arith.constant 0 : i32
    %dma_wait3A_101 = arith.constant 0 : i32
    %dma_wait3A_102 = tpu.memref_slice %arg3[%dma_wait3A_96, %dma_wait3A_100, %dma_wait3A_101] : memref<2x2048x2048xf32, #tpu.memory_space<vmem>> -> memref<1x2048x2048xf32, #tpu.memory_space<vmem>>
    %dma_wait3A_103 = tpu.memref_squeeze %dma_wait3A_102 : memref<1x2048x2048xf32, #tpu.memory_space<vmem>> -> memref<2048x2048xf32, #tpu.memory_space<vmem>>
    %dma_wait3A_104 = arith.constant 0 : i32
    %dma_wait3A_105 = tpu.memref_slice %arg0[%mul3A_95, %dma_wait3A_104] : memref<8192x2048xf32, #tpu.memory_space<hbm>> -> memref<2048x2048xf32, #tpu.memory_space<hbm>>
    tpu.wait_dma2 semaphore(%dma_wait3A_99 : memref<!tpu.dma_semaphore, #tpu.memory_space<semaphore_mem>>) src(%dma_wait3A_105 : memref<2048x2048xf32, #tpu.memory_space<hbm>>) dst(%dma_wait3A_103 : memref<2048x2048xf32, #tpu.memory_space<vmem>>)
    %mul3A_106 = arith.constant 2048 : i32
    %mul3A_107 = arith.muli %add3A_93, %mul3A_106 : i32
    %dma_start3A_108 = arith.constant 1 : i32
    %dma_start3A_109 = arith.constant 0 : i32
    %dma_start3A_110 = arith.constant 1 : i32
    %dma_start3A_111 = tpu.memref_slice %arg5[%dma_start3A_110] : memref<2x!tpu.dma_semaphore, #tpu.memory_space<semaphore_mem>> -> memref<1x!tpu.dma_semaphore, #tpu.memory_space<semaphore_mem>>
    %dma_start3A_112 = tpu.memref_squeeze %dma_start3A_111 : memref<1x!tpu.dma_semaphore, #tpu.memory_space<semaphore_mem>> -> memref<!tpu.dma_semaphore, #tpu.memory_space<semaphore_mem>>
    %dma_start3A_113 = arith.constant 0 : i32
    %dma_start3A_114 = tpu.memref_slice %arg2[%dma_start3A_109, %mul3A_107, %dma_start3A_113] : memref<4x8192x2048xf32, #tpu.memory_space<hbm>> -> memref<1x2048x2048xf32, #tpu.memory_space<hbm>>
    %dma_start3A_115 = tpu.memref_squeeze %dma_start3A_114 : memref<1x2048x2048xf32, #tpu.memory_space<hbm>> -> memref<2048x2048xf32, #tpu.memory_space<hbm>>
    %dma_start3A_116 = arith.constant 0 : i32
    %dma_start3A_117 = arith.constant 0 : i32
    %dma_start3A_118 = tpu.memref_slice %arg3[%dma_start3A_108, %dma_start3A_116, %dma_start3A_117] : memref<2x2048x2048xf32, #tpu.memory_space<vmem>> -> memref<1x2048x2048xf32, #tpu.memory_space<vmem>>
    %dma_start3A_119 = tpu.memref_squeeze %dma_start3A_118 : memref<1x2048x2048xf32, #tpu.memory_space<vmem>> -> memref<2048x2048xf32, #tpu.memory_space<vmem>>
    tpu.enqueue_dma source(%dma_start3A_119 : memref<2048x2048xf32, #tpu.memory_space<vmem>>) target(%dma_start3A_115 : memref<2048x2048xf32, #tpu.memory_space<hbm>>) target_semaphore(%dma_start3A_112 : memref<!tpu.dma_semaphore, #tpu.memory_space<semaphore_mem>>)
    %mul3A_120 = arith.constant 2048 : i32
    %mul3A_121 = arith.muli %add3A_93, %mul3A_120 : i32
    %dma_start3A_122 = arith.constant 1 : i32
    %dma_start3A_123 = arith.constant 1 : i32
    %dma_start3A_124 = arith.constant 1 : i32
    %dma_start3A_125 = tpu.memref_slice %arg5[%dma_start3A_124] : memref<2x!tpu.dma_semaphore, #tpu.memory_space<semaphore_mem>> -> memref<1x!tpu.dma_semaphore, #tpu.memory_space<semaphore_mem>>
    %dma_start3A_126 = tpu.memref_squeeze %dma_start3A_125 : memref<1x!tpu.dma_semaphore, #tpu.memory_space<semaphore_mem>> -> memref<!tpu.dma_semaphore, #tpu.memory_space<semaphore_mem>>
    %dma_start3A_127 = arith.constant 0 : i32
    %dma_start3A_128 = tpu.memref_slice %arg2[%dma_start3A_123, %mul3A_121, %dma_start3A_127] : memref<4x8192x2048xf32, #tpu.memory_space<hbm>> -> memref<1x2048x2048xf32, #tpu.memory_space<hbm>>
    %dma_start3A_129 = tpu.memref_squeeze %dma_start3A_128 : memref<1x2048x2048xf32, #tpu.memory_space<hbm>> -> memref<2048x2048xf32, #tpu.memory_space<hbm>>
    %dma_start3A_130 = arith.constant 0 : i32
    %dma_start3A_131 = arith.constant 0 : i32
    %dma_start3A_132 = tpu.memref_slice %arg3[%dma_start3A_122, %dma_start3A_130, %dma_start3A_131] : memref<2x2048x2048xf32, #tpu.memory_space<vmem>> -> memref<1x2048x2048xf32, #tpu.memory_space<vmem>>
    %dma_start3A_133 = tpu.memref_squeeze %dma_start3A_132 : memref<1x2048x2048xf32, #tpu.memory_space<vmem>> -> memref<2048x2048xf32, #tpu.memory_space<vmem>>
    tpu.enqueue_dma source(%dma_start3A_133 : memref<2048x2048xf32, #tpu.memory_space<vmem>>) target(%dma_start3A_129 : memref<2048x2048xf32, #tpu.memory_space<hbm>>) target_semaphore(%dma_start3A_126 : memref<!tpu.dma_semaphore, #tpu.memory_space<semaphore_mem>>)
    %mul3A_134 = arith.constant 2048 : i32
    %mul3A_135 = arith.muli %add3A_93, %mul3A_134 : i32
    %dma_start3A_136 = arith.constant 1 : i32
    %dma_start3A_137 = arith.constant 2 : i32
    %dma_start3A_138 = arith.constant 1 : i32
    %dma_start3A_139 = tpu.memref_slice %arg5[%dma_start3A_138] : memref<2x!tpu.dma_semaphore, #tpu.memory_space<semaphore_mem>> -> memref<1x!tpu.dma_semaphore, #tpu.memory_space<semaphore_mem>>
    %dma_start3A_140 = tpu.memref_squeeze %dma_start3A_139 : memref<1x!tpu.dma_semaphore, #tpu.memory_space<semaphore_mem>> -> memref<!tpu.dma_semaphore, #tpu.memory_space<semaphore_mem>>
    %dma_start3A_141 = arith.constant 0 : i32
    %dma_start3A_142 = tpu.memref_slice %arg2[%dma_start3A_137, %mul3A_135, %dma_start3A_141] : memref<4x8192x2048xf32, #tpu.memory_space<hbm>> -> memref<1x2048x2048xf32, #tpu.memory_space<hbm>>
    %dma_start3A_143 = tpu.memref_squeeze %dma_start3A_142 : memref<1x2048x2048xf32, #tpu.memory_space<hbm>> -> memref<2048x2048xf32, #tpu.memory_space<hbm>>
    %dma_start3A_144 = arith.constant 0 : i32
    %dma_start3A_145 = arith.constant 0 : i32
    %dma_start3A_146 = tpu.memref_slice %arg3[%dma_start3A_136, %dma_start3A_144, %dma_start3A_145] : memref<2x2048x2048xf32, #tpu.memory_space<vmem>> -> memref<1x2048x2048xf32, #tpu.memory_space<vmem>>
    %dma_start3A_147 = tpu.memref_squeeze %dma_start3A_146 : memref<1x2048x2048xf32, #tpu.memory_space<vmem>> -> memref<2048x2048xf32, #tpu.memory_space<vmem>>
    tpu.enqueue_dma source(%dma_start3A_147 : memref<2048x2048xf32, #tpu.memory_space<vmem>>) target(%dma_start3A_143 : memref<2048x2048xf32, #tpu.memory_space<hbm>>) target_semaphore(%dma_start3A_140 : memref<!tpu.dma_semaphore, #tpu.memory_space<semaphore_mem>>)
    %mul3A_148 = arith.constant 2048 : i32
    %mul3A_149 = arith.muli %add3A_93, %mul3A_148 : i32
    %dma_start3A_150 = arith.constant 1 : i32
    %dma_start3A_151 = arith.constant 3 : i32
    %dma_start3A_152 = arith.constant 1 : i32
    %dma_start3A_153 = tpu.memref_slice %arg5[%dma_start3A_152] : memref<2x!tpu.dma_semaphore, #tpu.memory_space<semaphore_mem>> -> memref<1x!tpu.dma_semaphore, #tpu.memory_space<semaphore_mem>>
    %dma_start3A_154 = tpu.memref_squeeze %dma_start3A_153 : memref<1x!tpu.dma_semaphore, #tpu.memory_space<semaphore_mem>> -> memref<!tpu.dma_semaphore, #tpu.memory_space<semaphore_mem>>
    %dma_start3A_155 = arith.constant 0 : i32
    %dma_start3A_156 = tpu.memref_slice %arg2[%dma_start3A_151, %mul3A_149, %dma_start3A_155] : memref<4x8192x2048xf32, #tpu.memory_space<hbm>> -> memref<1x2048x2048xf32, #tpu.memory_space<hbm>>
    %dma_start3A_157 = tpu.memref_squeeze %dma_start3A_156 : memref<1x2048x2048xf32, #tpu.memory_space<hbm>> -> memref<2048x2048xf32, #tpu.memory_space<hbm>>
    %dma_start3A_158 = arith.constant 0 : i32
    %dma_start3A_159 = arith.constant 0 : i32
    %dma_start3A_160 = tpu.memref_slice %arg3[%dma_start3A_150, %dma_start3A_158, %dma_start3A_159] : memref<2x2048x2048xf32, #tpu.memory_space<vmem>> -> memref<1x2048x2048xf32, #tpu.memory_space<vmem>>
    %dma_start3A_161 = tpu.memref_squeeze %dma_start3A_160 : memref<1x2048x2048xf32, #tpu.memory_space<vmem>> -> memref<2048x2048xf32, #tpu.memory_space<vmem>>
    tpu.enqueue_dma source(%dma_start3A_161 : memref<2048x2048xf32, #tpu.memory_space<vmem>>) target(%dma_start3A_157 : memref<2048x2048xf32, #tpu.memory_space<hbm>>) target_semaphore(%dma_start3A_154 : memref<!tpu.dma_semaphore, #tpu.memory_space<semaphore_mem>>)
    %mul3A_162 = arith.constant 2 : i32
    %mul3A_163 = arith.muli %scan3A, %mul3A_162 : i32
    %add3A_164 = arith.constant 0 : i32
    %add3A_165 = arith.addi %mul3A_163, %add3A_164 : i32
    %mul3A_166 = arith.constant 2048 : i32
    %mul3A_167 = arith.muli %add3A_165, %mul3A_166 : i32
    %dma_wait3A_168 = arith.constant 0 : i32
    %dma_wait3A_169 = arith.constant 0 : i32
    %dma_wait3A_170 = arith.constant 0 : i32
    %dma_wait3A_171 = tpu.memref_slice %arg5[%dma_wait3A_170] : memref<2x!tpu.dma_semaphore, #tpu.memory_space<semaphore_mem>> -> memref<1x!tpu.dma_semaphore, #tpu.memory_space<semaphore_mem>>
    %dma_wait3A_172 = tpu.memref_squeeze %dma_wait3A_171 : memref<1x!tpu.dma_semaphore, #tpu.memory_space<semaphore_mem>> -> memref<!tpu.dma_semaphore, #tpu.memory_space<semaphore_mem>>
    %dma_wait3A_173 = arith.constant 0 : i32
    %dma_wait3A_174 = tpu.memref_slice %arg2[%dma_wait3A_169, %mul3A_167, %dma_wait3A_173] : memref<4x8192x2048xf32, #tpu.memory_space<hbm>> -> memref<1x2048x2048xf32, #tpu.memory_space<hbm>>
    %dma_wait3A_175 = tpu.memref_squeeze %dma_wait3A_174 : memref<1x2048x2048xf32, #tpu.memory_space<hbm>> -> memref<2048x2048xf32, #tpu.memory_space<hbm>>
    %dma_wait3A_176 = arith.constant 0 : i32
    %dma_wait3A_177 = arith.constant 0 : i32
    %dma_wait3A_178 = tpu.memref_slice %arg3[%dma_wait3A_168, %dma_wait3A_176, %dma_wait3A_177] : memref<2x2048x2048xf32, #tpu.memory_space<vmem>> -> memref<1x2048x2048xf32, #tpu.memory_space<vmem>>
    %dma_wait3A_179 = tpu.memref_squeeze %dma_wait3A_178 : memref<1x2048x2048xf32, #tpu.memory_space<vmem>> -> memref<2048x2048xf32, #tpu.memory_space<vmem>>
    tpu.wait_dma2 semaphore(%dma_wait3A_172 : memref<!tpu.dma_semaphore, #tpu.memory_space<semaphore_mem>>) src(%dma_wait3A_179 : memref<2048x2048xf32, #tpu.memory_space<vmem>>) dst(%dma_wait3A_175 : memref<2048x2048xf32, #tpu.memory_space<hbm>>)
    %mul3A_180 = arith.constant 2048 : i32
    %mul3A_181 = arith.muli %add3A_165, %mul3A_180 : i32
    %dma_wait3A_182 = arith.constant 0 : i32
    %dma_wait3A_183 = arith.constant 1 : i32
    %dma_wait3A_184 = arith.constant 0 : i32
    %dma_wait3A_185 = tpu.memref_slice %arg5[%dma_wait3A_184] : memref<2x!tpu.dma_semaphore, #tpu.memory_space<semaphore_mem>> -> memref<1x!tpu.dma_semaphore, #tpu.memory_space<semaphore_mem>>
    %dma_wait3A_186 = tpu.memref_squeeze %dma_wait3A_185 : memref<1x!tpu.dma_semaphore, #tpu.memory_space<semaphore_mem>> -> memref<!tpu.dma_semaphore, #tpu.memory_space<semaphore_mem>>
    %dma_wait3A_187 = arith.constant 0 : i32
    %dma_wait3A_188 = tpu.memref_slice %arg2[%dma_wait3A_183, %mul3A_181, %dma_wait3A_187] : memref<4x8192x2048xf32, #tpu.memory_space<hbm>> -> memref<1x2048x2048xf32, #tpu.memory_space<hbm>>
    %dma_wait3A_189 = tpu.memref_squeeze %dma_wait3A_188 : memref<1x2048x2048xf32, #tpu.memory_space<hbm>> -> memref<2048x2048xf32, #tpu.memory_space<hbm>>
    %dma_wait3A_190 = arith.constant 0 : i32
    %dma_wait3A_191 = arith.constant 0 : i32
    %dma_wait3A_192 = tpu.memref_slice %arg3[%dma_wait3A_182, %dma_wait3A_190, %dma_wait3A_191] : memref<2x2048x2048xf32, #tpu.memory_space<vmem>> -> memref<1x2048x2048xf32, #tpu.memory_space<vmem>>
    %dma_wait3A_193 = tpu.memref_squeeze %dma_wait3A_192 : memref<1x2048x2048xf32, #tpu.memory_space<vmem>> -> memref<2048x2048xf32, #tpu.memory_space<vmem>>
    tpu.wait_dma2 semaphore(%dma_wait3A_186 : memref<!tpu.dma_semaphore, #tpu.memory_space<semaphore_mem>>) src(%dma_wait3A_193 : memref<2048x2048xf32, #tpu.memory_space<vmem>>) dst(%dma_wait3A_189 : memref<2048x2048xf32, #tpu.memory_space<hbm>>)
    %mul3A_194 = arith.constant 2048 : i32
    %mul3A_195 = arith.muli %add3A_165, %mul3A_194 : i32
    %dma_wait3A_196 = arith.constant 0 : i32
    %dma_wait3A_197 = arith.constant 2 : i32
    %dma_wait3A_198 = arith.constant 0 : i32
    %dma_wait3A_199 = tpu.memref_slice %arg5[%dma_wait3A_198] : memref<2x!tpu.dma_semaphore, #tpu.memory_space<semaphore_mem>> -> memref<1x!tpu.dma_semaphore, #tpu.memory_space<semaphore_mem>>
    %dma_wait3A_200 = tpu.memref_squeeze %dma_wait3A_199 : memref<1x!tpu.dma_semaphore, #tpu.memory_space<semaphore_mem>> -> memref<!tpu.dma_semaphore, #tpu.memory_space<semaphore_mem>>
    %dma_wait3A_201 = arith.constant 0 : i32
    %dma_wait3A_202 = tpu.memref_slice %arg2[%dma_wait3A_197, %mul3A_195, %dma_wait3A_201] : memref<4x8192x2048xf32, #tpu.memory_space<hbm>> -> memref<1x2048x2048xf32, #tpu.memory_space<hbm>>
    %dma_wait3A_203 = tpu.memref_squeeze %dma_wait3A_202 : memref<1x2048x2048xf32, #tpu.memory_space<hbm>> -> memref<2048x2048xf32, #tpu.memory_space<hbm>>
    %dma_wait3A_204 = arith.constant 0 : i32
    %dma_wait3A_205 = arith.constant 0 : i32
    %dma_wait3A_206 = tpu.memref_slice %arg3[%dma_wait3A_196, %dma_wait3A_204, %dma_wait3A_205] : memref<2x2048x2048xf32, #tpu.memory_space<vmem>> -> memref<1x2048x2048xf32, #tpu.memory_space<vmem>>
    %dma_wait3A_207 = tpu.memref_squeeze %dma_wait3A_206 : memref<1x2048x2048xf32, #tpu.memory_space<vmem>> -> memref<2048x2048xf32, #tpu.memory_space<vmem>>
    tpu.wait_dma2 semaphore(%dma_wait3A_200 : memref<!tpu.dma_semaphore, #tpu.memory_space<semaphore_mem>>) src(%dma_wait3A_207 : memref<2048x2048xf32, #tpu.memory_space<vmem>>) dst(%dma_wait3A_203 : memref<2048x2048xf32, #tpu.memory_space<hbm>>)
    %mul3A_208 = arith.constant 2048 : i32
    %mul3A_209 = arith.muli %add3A_165, %mul3A_208 : i32
    %dma_wait3A_210 = arith.constant 0 : i32
    %dma_wait3A_211 = arith.constant 3 : i32
    %dma_wait3A_212 = arith.constant 0 : i32
    %dma_wait3A_213 = tpu.memref_slice %arg5[%dma_wait3A_212] : memref<2x!tpu.dma_semaphore, #tpu.memory_space<semaphore_mem>> -> memref<1x!tpu.dma_semaphore, #tpu.memory_space<semaphore_mem>>
    %dma_wait3A_214 = tpu.memref_squeeze %dma_wait3A_213 : memref<1x!tpu.dma_semaphore, #tpu.memory_space<semaphore_mem>> -> memref<!tpu.dma_semaphore, #tpu.memory_space<semaphore_mem>>
    %dma_wait3A_215 = arith.constant 0 : i32
    %dma_wait3A_216 = tpu.memref_slice %arg2[%dma_wait3A_211, %mul3A_209, %dma_wait3A_215] : memref<4x8192x2048xf32, #tpu.memory_space<hbm>> -> memref<1x2048x2048xf32, #tpu.memory_space<hbm>>
    %dma_wait3A_217 = tpu.memref_squeeze %dma_wait3A_216 : memref<1x2048x2048xf32, #tpu.memory_space<hbm>> -> memref<2048x2048xf32, #tpu.memory_space<hbm>>
    %dma_wait3A_218 = arith.constant 0 : i32
    %dma_wait3A_219 = arith.constant 0 : i32
    %dma_wait3A_220 = tpu.memref_slice %arg3[%dma_wait3A_210, %dma_wait3A_218, %dma_wait3A_219] : memref<2x2048x2048xf32, #tpu.memory_space<vmem>> -> memref<1x2048x2048xf32, #tpu.memory_space<vmem>>
    %dma_wait3A_221 = tpu.memref_squeeze %dma_wait3A_220 : memref<1x2048x2048xf32, #tpu.memory_space<vmem>> -> memref<2048x2048xf32, #tpu.memory_space<vmem>>
    tpu.wait_dma2 semaphore(%dma_wait3A_214 : memref<!tpu.dma_semaphore, #tpu.memory_space<semaphore_mem>>) src(%dma_wait3A_221 : memref<2048x2048xf32, #tpu.memory_space<vmem>>) dst(%dma_wait3A_217 : memref<2048x2048xf32, #tpu.memory_space<hbm>>)
    %add3A_222 = arith.constant 2 : i32
    %add3A_223 = arith.addi %add3A_165, %add3A_222 : i32
    %lt3A = arith.constant 2 : i32
    %lt3A_224 = arith.cmpi slt, %add3A_223, %lt3A : i32
    %convert_element_type3A = arith.extui %lt3A_224 : i1 to i32
    %cond3A = arith.constant 0 : i32
    %cond3A_225 = arith.cmpi ne, %convert_element_type3A, %cond3A : i32
    scf.if %cond3A_225 {
      %mul3A_294 = arith.constant 2048 : i32
      %mul3A_295 = arith.muli %add3A_223, %mul3A_294 : i32
      %dma_start3A_296 = arith.constant 0 : i32
      %dma_start3A_297 = arith.constant 0 : i32
      %dma_start3A_298 = tpu.memref_slice %arg4[%dma_start3A_297] : memref<2x!tpu.dma_semaphore, #tpu.memory_space<semaphore_mem>> -> memref<1x!tpu.dma_semaphore, #tpu.memory_space<semaphore_mem>>
      %dma_start3A_299 = tpu.memref_squeeze %dma_start3A_298 : memref<1x!tpu.dma_semaphore, #tpu.memory_space<semaphore_mem>> -> memref<!tpu.dma_semaphore, #tpu.memory_space<semaphore_mem>>
      %dma_start3A_300 = arith.constant 0 : i32
      %dma_start3A_301 = arith.constant 0 : i32
      %dma_start3A_302 = tpu.memref_slice %arg3[%dma_start3A_296, %dma_start3A_300, %dma_start3A_301] : memref<2x2048x2048xf32, #tpu.memory_space<vmem>> -> memref<1x2048x2048xf32, #tpu.memory_space<vmem>>
      %dma_start3A_303 = tpu.memref_squeeze %dma_start3A_302 : memref<1x2048x2048xf32, #tpu.memory_space<vmem>> -> memref<2048x2048xf32, #tpu.memory_space<vmem>>
      %dma_start3A_304 = arith.constant 0 : i32
      %dma_start3A_305 = tpu.memref_slice %arg0[%mul3A_295, %dma_start3A_304] : memref<8192x2048xf32, #tpu.memory_space<hbm>> -> memref<2048x2048xf32, #tpu.memory_space<hbm>>
      tpu.enqueue_dma source(%dma_start3A_305 : memref<2048x2048xf32, #tpu.memory_space<hbm>>) target(%dma_start3A_303 : memref<2048x2048xf32, #tpu.memory_space<vmem>>) target_semaphore(%dma_start3A_299 : memref<!tpu.dma_semaphore, #tpu.memory_space<semaphore_mem>>)
    } else {
    }
    %mul3A_226 = arith.constant 2 : i32
    %mul3A_227 = arith.muli %scan3A, %mul3A_226 : i32
    %add3A_228 = arith.constant 1 : i32
    %add3A_229 = arith.addi %mul3A_227, %add3A_228 : i32
    %mul3A_230 = arith.constant 2048 : i32
    %mul3A_231 = arith.muli %add3A_229, %mul3A_230 : i32
    %dma_wait3A_232 = arith.constant 1 : i32
    %dma_wait3A_233 = arith.constant 0 : i32
    %dma_wait3A_234 = arith.constant 1 : i32
    %dma_wait3A_235 = tpu.memref_slice %arg5[%dma_wait3A_234] : memref<2x!tpu.dma_semaphore, #tpu.memory_space<semaphore_mem>> -> memref<1x!tpu.dma_semaphore, #tpu.memory_space<semaphore_mem>>
    %dma_wait3A_236 = tpu.memref_squeeze %dma_wait3A_235 : memref<1x!tpu.dma_semaphore, #tpu.memory_space<semaphore_mem>> -> memref<!tpu.dma_semaphore, #tpu.memory_space<semaphore_mem>>
    %dma_wait3A_237 = arith.constant 0 : i32
    %dma_wait3A_238 = tpu.memref_slice %arg2[%dma_wait3A_233, %mul3A_231, %dma_wait3A_237] : memref<4x8192x2048xf32, #tpu.memory_space<hbm>> -> memref<1x2048x2048xf32, #tpu.memory_space<hbm>>
    %dma_wait3A_239 = tpu.memref_squeeze %dma_wait3A_238 : memref<1x2048x2048xf32, #tpu.memory_space<hbm>> -> memref<2048x2048xf32, #tpu.memory_space<hbm>>
    %dma_wait3A_240 = arith.constant 0 : i32
    %dma_wait3A_241 = arith.constant 0 : i32
    %dma_wait3A_242 = tpu.memref_slice %arg3[%dma_wait3A_232, %dma_wait3A_240, %dma_wait3A_241] : memref<2x2048x2048xf32, #tpu.memory_space<vmem>> -> memref<1x2048x2048xf32, #tpu.memory_space<vmem>>
    %dma_wait3A_243 = tpu.memref_squeeze %dma_wait3A_242 : memref<1x2048x2048xf32, #tpu.memory_space<vmem>> -> memref<2048x2048xf32, #tpu.memory_space<vmem>>
    tpu.wait_dma2 semaphore(%dma_wait3A_236 : memref<!tpu.dma_semaphore, #tpu.memory_space<semaphore_mem>>) src(%dma_wait3A_243 : memref<2048x2048xf32, #tpu.memory_space<vmem>>) dst(%dma_wait3A_239 : memref<2048x2048xf32, #tpu.memory_space<hbm>>)
    %mul3A_244 = arith.constant 2048 : i32
    %mul3A_245 = arith.muli %add3A_229, %mul3A_244 : i32
    %dma_wait3A_246 = arith.constant 1 : i32
    %dma_wait3A_247 = arith.constant 1 : i32
    %dma_wait3A_248 = arith.constant 1 : i32
    %dma_wait3A_249 = tpu.memref_slice %arg5[%dma_wait3A_248] : memref<2x!tpu.dma_semaphore, #tpu.memory_space<semaphore_mem>> -> memref<1x!tpu.dma_semaphore, #tpu.memory_space<semaphore_mem>>
    %dma_wait3A_250 = tpu.memref_squeeze %dma_wait3A_249 : memref<1x!tpu.dma_semaphore, #tpu.memory_space<semaphore_mem>> -> memref<!tpu.dma_semaphore, #tpu.memory_space<semaphore_mem>>
    %dma_wait3A_251 = arith.constant 0 : i32
    %dma_wait3A_252 = tpu.memref_slice %arg2[%dma_wait3A_247, %mul3A_245, %dma_wait3A_251] : memref<4x8192x2048xf32, #tpu.memory_space<hbm>> -> memref<1x2048x2048xf32, #tpu.memory_space<hbm>>
    %dma_wait3A_253 = tpu.memref_squeeze %dma_wait3A_252 : memref<1x2048x2048xf32, #tpu.memory_space<hbm>> -> memref<2048x2048xf32, #tpu.memory_space<hbm>>
    %dma_wait3A_254 = arith.constant 0 : i32
    %dma_wait3A_255 = arith.constant 0 : i32
    %dma_wait3A_256 = tpu.memref_slice %arg3[%dma_wait3A_246, %dma_wait3A_254, %dma_wait3A_255] : memref<2x2048x2048xf32, #tpu.memory_space<vmem>> -> memref<1x2048x2048xf32, #tpu.memory_space<vmem>>
    %dma_wait3A_257 = tpu.memref_squeeze %dma_wait3A_256 : memref<1x2048x2048xf32, #tpu.memory_space<vmem>> -> memref<2048x2048xf32, #tpu.memory_space<vmem>>
    tpu.wait_dma2 semaphore(%dma_wait3A_250 : memref<!tpu.dma_semaphore, #tpu.memory_space<semaphore_mem>>) src(%dma_wait3A_257 : memref<2048x2048xf32, #tpu.memory_space<vmem>>) dst(%dma_wait3A_253 : memref<2048x2048xf32, #tpu.memory_space<hbm>>)
    %mul3A_258 = arith.constant 2048 : i32
    %mul3A_259 = arith.muli %add3A_229, %mul3A_258 : i32
    %dma_wait3A_260 = arith.constant 1 : i32
    %dma_wait3A_261 = arith.constant 2 : i32
    %dma_wait3A_262 = arith.constant 1 : i32
    %dma_wait3A_263 = tpu.memref_slice %arg5[%dma_wait3A_262] : memref<2x!tpu.dma_semaphore, #tpu.memory_space<semaphore_mem>> -> memref<1x!tpu.dma_semaphore, #tpu.memory_space<semaphore_mem>>
    %dma_wait3A_264 = tpu.memref_squeeze %dma_wait3A_263 : memref<1x!tpu.dma_semaphore, #tpu.memory_space<semaphore_mem>> -> memref<!tpu.dma_semaphore, #tpu.memory_space<semaphore_mem>>
    %dma_wait3A_265 = arith.constant 0 : i32
    %dma_wait3A_266 = tpu.memref_slice %arg2[%dma_wait3A_261, %mul3A_259, %dma_wait3A_265] : memref<4x8192x2048xf32, #tpu.memory_space<hbm>> -> memref<1x2048x2048xf32, #tpu.memory_space<hbm>>
    %dma_wait3A_267 = tpu.memref_squeeze %dma_wait3A_266 : memref<1x2048x2048xf32, #tpu.memory_space<hbm>> -> memref<2048x2048xf32, #tpu.memory_space<hbm>>
    %dma_wait3A_268 = arith.constant 0 : i32
    %dma_wait3A_269 = arith.constant 0 : i32
    %dma_wait3A_270 = tpu.memref_slice %arg3[%dma_wait3A_260, %dma_wait3A_268, %dma_wait3A_269] : memref<2x2048x2048xf32, #tpu.memory_space<vmem>> -> memref<1x2048x2048xf32, #tpu.memory_space<vmem>>
    %dma_wait3A_271 = tpu.memref_squeeze %dma_wait3A_270 : memref<1x2048x2048xf32, #tpu.memory_space<vmem>> -> memref<2048x2048xf32, #tpu.memory_space<vmem>>
    tpu.wait_dma2 semaphore(%dma_wait3A_264 : memref<!tpu.dma_semaphore, #tpu.memory_space<semaphore_mem>>) src(%dma_wait3A_271 : memref<2048x2048xf32, #tpu.memory_space<vmem>>) dst(%dma_wait3A_267 : memref<2048x2048xf32, #tpu.memory_space<hbm>>)
    %mul3A_272 = arith.constant 2048 : i32
    %mul3A_273 = arith.muli %add3A_229, %mul3A_272 : i32
    %dma_wait3A_274 = arith.constant 1 : i32
    %dma_wait3A_275 = arith.constant 3 : i32
    %dma_wait3A_276 = arith.constant 1 : i32
    %dma_wait3A_277 = tpu.memref_slice %arg5[%dma_wait3A_276] : memref<2x!tpu.dma_semaphore, #tpu.memory_space<semaphore_mem>> -> memref<1x!tpu.dma_semaphore, #tpu.memory_space<semaphore_mem>>
    %dma_wait3A_278 = tpu.memref_squeeze %dma_wait3A_277 : memref<1x!tpu.dma_semaphore, #tpu.memory_space<semaphore_mem>> -> memref<!tpu.dma_semaphore, #tpu.memory_space<semaphore_mem>>
    %dma_wait3A_279 = arith.constant 0 : i32
    %dma_wait3A_280 = tpu.memref_slice %arg2[%dma_wait3A_275, %mul3A_273, %dma_wait3A_279] : memref<4x8192x2048xf32, #tpu.memory_space<hbm>> -> memref<1x2048x2048xf32, #tpu.memory_space<hbm>>
    %dma_wait3A_281 = tpu.memref_squeeze %dma_wait3A_280 : memref<1x2048x2048xf32, #tpu.memory_space<hbm>> -> memref<2048x2048xf32, #tpu.memory_space<hbm>>
    %dma_wait3A_282 = arith.constant 0 : i32
    %dma_wait3A_283 = arith.constant 0 : i32
    %dma_wait3A_284 = tpu.memref_slice %arg3[%dma_wait3A_274, %dma_wait3A_282, %dma_wait3A_283] : memref<2x2048x2048xf32, #tpu.memory_space<vmem>> -> memref<1x2048x2048xf32, #tpu.memory_space<vmem>>
    %dma_wait3A_285 = tpu.memref_squeeze %dma_wait3A_284 : memref<1x2048x2048xf32, #tpu.memory_space<vmem>> -> memref<2048x2048xf32, #tpu.memory_space<vmem>>
    tpu.wait_dma2 semaphore(%dma_wait3A_278 : memref<!tpu.dma_semaphore, #tpu.memory_space<semaphore_mem>>) src(%dma_wait3A_285 : memref<2048x2048xf32, #tpu.memory_space<vmem>>) dst(%dma_wait3A_281 : memref<2048x2048xf32, #tpu.memory_space<hbm>>)
    %add3A_286 = arith.constant 2 : i32
    %add3A_287 = arith.addi %add3A_229, %add3A_286 : i32
    %lt3A_288 = arith.constant 2 : i32
    %lt3A_289 = arith.cmpi slt, %add3A_287, %lt3A_288 : i32
    %convert_element_type3A_290 = arith.extui %lt3A_289 : i1 to i32
    %cond3A_291 = arith.constant 0 : i32
    %cond3A_292 = arith.cmpi ne, %convert_element_type3A_290, %cond3A_291 : i32
    scf.if %cond3A_292 {
      %mul3A_294 = arith.constant 2048 : i32
      %mul3A_295 = arith.muli %add3A_287, %mul3A_294 : i32
      %dma_start3A_296 = arith.constant 1 : i32
      %dma_start3A_297 = arith.constant 1 : i32
      %dma_start3A_298 = tpu.memref_slice %arg4[%dma_start3A_297] : memref<2x!tpu.dma_semaphore, #tpu.memory_space<semaphore_mem>> -> memref<1x!tpu.dma_semaphore, #tpu.memory_space<semaphore_mem>>
      %dma_start3A_299 = tpu.memref_squeeze %dma_start3A_298 : memref<1x!tpu.dma_semaphore, #tpu.memory_space<semaphore_mem>> -> memref<!tpu.dma_semaphore, #tpu.memory_space<semaphore_mem>>
      %dma_start3A_300 = arith.constant 0 : i32
      %dma_start3A_301 = arith.constant 0 : i32
      %dma_start3A_302 = tpu.memref_slice %arg3[%dma_start3A_296, %dma_start3A_300, %dma_start3A_301] : memref<2x2048x2048xf32, #tpu.memory_space<vmem>> -> memref<1x2048x2048xf32, #tpu.memory_space<vmem>>
      %dma_start3A_303 = tpu.memref_squeeze %dma_start3A_302 : memref<1x2048x2048xf32, #tpu.memory_space<vmem>> -> memref<2048x2048xf32, #tpu.memory_space<vmem>>
      %dma_start3A_304 = arith.constant 0 : i32
      %dma_start3A_305 = tpu.memref_slice %arg0[%mul3A_295, %dma_start3A_304] : memref<8192x2048xf32, #tpu.memory_space<hbm>> -> memref<2048x2048xf32, #tpu.memory_space<hbm>>
      tpu.enqueue_dma source(%dma_start3A_305 : memref<2048x2048xf32, #tpu.memory_space<hbm>>) target(%dma_start3A_303 : memref<2048x2048xf32, #tpu.memory_space<vmem>>) target_semaphore(%dma_start3A_299 : memref<!tpu.dma_semaphore, #tpu.memory_space<semaphore_mem>>)
    } else {
    }
    %scan3A_293 = arith.constant 1 : i32
    return
  }
}

</mosaic_0001>

<sc_bundles>
// kernel: kernel.4.cloned.1.call-start
scs
__scs_entry_jumppad:
0x0: {  	(pc) =	sbr.rel $0x88, $3  }
0x1: {  	(tag) =	ssettag $0x0;
	lr =	simm.s32 $0x1  }
0x2: {  	[smem:$0x3FA0] =	sst lr;
	_ =	strace $0xD0000000  }
0x3: {  	_ = 	snop  }
0x4: {  	_ = 	snop  }
0x5: {  	_ = 	snop  }
0x6: {  	_ = 	snop  }
0x7: {  	_ = 	snop  }
__scs_overlays_trampoline_lowered:
0x8: {  	[smem:$0x3FAF] =	sst s0  }
0x9: {  	[smem:$0x3FB0] =	sst s1  }
0xa: {  	[smem:$0x3FB1] =	sst s2  }
0xb: {  	[smem:$0x3FB2] =	sst s3  }
0xc: {  	[smem:$0x3FB3] =	sst s4  }
0xd: {  	[smem:$0x3FB4] =	sst s5  }
0xe: {  	[smem:$0x3FB5] =	sst s6  }
0xf: {  	[smem:$0x3FB6] =	sst s7  }
0x10: {  	[smem:$0x3FB7] =	sst s8  }
0x11: {  	[smem:$0x3FB8] =	sst s9;
	s0 =	simm.s32 @!p0 $0x0  }
0x12: {  	s1 =	sld [smem:$0x3F9E];
	s0 =	simm.s32 @p0 $0x1  }
0x13: {  	[smem:$0x3FB9] =	sst s0;
	s0 =	simm.s32 @!p1 $0x0  }
0x14: {  	s2 =	sld [smem:$0x3F9D];
	s0 =	simm.s32 @p1 $0x1  }
0x15: {  	[smem:$0x3FBA] =	sst s0;
	s0 =	simm.s32 @!p2 $0x0  }
0x16: {  	s3 =	sld [smem:$0x3FDB];
	s0 =	simm.s32 @p2 $0x1  }
0x17: {  	s4 =	simm.s32 $0x1BF5;
	[smem:$0x3FBC] =	sst s0  }
0x18: {  	s0 =	sld [smem:$0x3F9F];
	_ =	swait.ge [sflag:s4], $0x0  }
0x19: {  	s7 =	sld [smem:$0x3FA0]  }
0x1a: {  	s8 =	sadd.s32 $0xFFFFE003, lr  }
0x1b: {  	s9 =	sadd.s32 $0xFFFFFEF7, lr;
	s5 =	simm.s32 $0xFFFFFFFF;
	p2 =	slt.u32 s8, $0xFFFFF086  }
0x1c: {  	p1 =	slt.u32 s9, $0xF7A;
	s5 =	simm.s32 @!p2 $0x0  }
0x1d: {  	s5 =	simm.s32 @p1 $0x1;
	p0 =	seq.s32 s7, s2  }
0x1e: {  	s7 =	smul.u32 @!p0 $0xF7A, s2;
	p2 =	seq.s32 @!p0 s5, $0x0  }
0x1f: {  	s9 =	smul.u32 $0xF7A, s1;
	s8 =	simm.s32 @!p0 $0x1BF5;
	p2 =	por !p2, p0  }
0x20: {  	[sflag:s8] =	ssyncset.s32 @!p0 $0xFFFFF086;
	s6 =	sadd.s32 @!p0 s3, s7;
	s7 =	simm.s32 @!p0 $0x108  }
0x21: {  	s3 =	sadd.s32 s3, s9;
	s6 =	sadd.s32 @!p0 $0x88, s6;
	s7 =	simm.s32 @p2 $0x1082  }
0x22: {  	[simem:s7], [sflag:s8] =	dma.local @!p0 [hbm:s6], $0xF7A  }
0x23: {  	s9 =	sor.u32 $0xD0000000, s2;
	s6 =	simm.s32 $0x108;
	_ =	swait.ge @!p0 [sflag:s8], $0x0  }
0x24: {  	s3 =	sadd.s32 $0x88, s3;
	s6 =	simm.s32 @!p1 $0x1082;
	[sflag:s4] =	ssyncset.s32 $0xFFFFF086  }
0x25: {  	[simem:s6], [sflag:s4] =	dma.local [hbm:s3], $0xF7A  }
0x26: {  	[smem:$0x3FA0] =	sst s1;
	(tag) =	ssettag s2;
	_ =	strace s9  }
0x27: {  	s1 =	sld [smem:$0x3FB0]  }
0x28: {  	s2 =	sld [smem:$0x3FB1]  }
0x29: {  	s4 =	sld [smem:$0x3FB3]  }
0x2a: {  	p0 =	seq.s32 s5, $0x0;
	s5 =	sld [smem:$0x3FB4]  }
0x2b: {  	s6 =	sld [smem:$0x3FB5]  }
0x2c: {  	s7 =	sld [smem:$0x3FB6]  }
0x2d: {  	s3 =	simm.s32 $0x108;
	s8 =	sld [smem:$0x3FB7]  }
0x2e: {  	s3 =	simm.s32 @!p0 $0x1082;
	s9 =	sld [smem:$0x3FB8]  }
0x2f: {  	lr =	sadd.s32 s0, s3;
	s0 =	sld [smem:$0x3FAF]  }
0x30: {  	s3 =	sld [smem:$0x3FB2]  }
0x31: {  	[smem:$0x3FBB] =	sst s10  }
0x32: {  	s10 =	sld [smem:$0x3FB9];
	_ =	sdelay $0x3  }
0x33: {  	p0 =	seq.s32 s10, $0x1;
	s10 =	sld [smem:$0x3FBB];
	_ =	sdelay $0x3  }
0x34: {  	[smem:$0x3FBB] =	sst s10  }
0x35: {  	s10 =	sld [smem:$0x3FBA];
	_ =	sdelay $0x3  }
0x36: {  	p1 =	seq.s32 s10, $0x1;
	s10 =	sld [smem:$0x3FBB];
	_ =	sdelay $0x3  }
0x37: {  	[smem:$0x3FBB] =	sst s10  }
0x38: {  	s10 =	sld [smem:$0x3FBC]  }
0x39: {  	_ = 	snop;
	(pc) =	sbr.ind lr, $3  }
0x3a: {  	_ = 	snop  }
0x3b: {  	_ = 	snop  }
0x3c: {  	p2 =	seq.s32 s10, $0x1;
	s10 =	sld [smem:$0x3FBB]  }
0x3d: {  	_ =	shalt  }
0x3e: {  	_ =	shalt  }
0x3f: {  	_ =	shalt  }
0x40: {  	_ =	shalt  }
0x41: {  	_ =	shalt  }
0x42: {  	_ =	shalt  }
0x43: {  	_ =	shalt  }
0x44: {  	_ =	shalt  }
0x45: {  	_ =	shalt  }
0x46: {  	_ =	shalt  }
0x47: {  	_ =	shalt  }
0x48: {  	_ =	shalt  }
0x49: {  	_ =	shalt  }
0x4a: {  	_ =	shalt  }
0x4b: {  	_ =	shalt  }
0x4c: {  	_ =	shalt  }
0x4d: {  	_ =	shalt  }
0x4e: {  	_ =	shalt  }
0x4f: {  	_ =	shalt  }
0x50: {  	_ =	shalt  }
0x51: {  	_ =	shalt  }
0x52: {  	_ =	shalt  }
0x53: {  	_ =	shalt  }
0x54: {  	_ =	shalt  }
0x55: {  	_ =	shalt  }
0x56: {  	_ =	shalt  }
0x57: {  	_ =	shalt  }
0x58: {  	_ =	shalt  }
0x59: {  	_ =	shalt  }
0x5a: {  	_ =	shalt  }
0x5b: {  	_ =	shalt  }
0x5c: {  	_ =	shalt  }
0x5d: {  	_ =	shalt  }
0x5e: {  	_ =	shalt  }
0x5f: {  	_ =	shalt  }
0x60: {  	_ =	shalt  }
0x61: {  	_ =	shalt  }
0x62: {  	_ =	shalt  }
0x63: {  	_ =	shalt  }
0x64: {  	_ =	shalt  }
0x65: {  	_ =	shalt  }
0x66: {  	_ =	shalt  }
0x67: {  	_ =	shalt  }
0x68: {  	_ =	shalt  }
0x69: {  	_ =	shalt  }
0x6a: {  	_ =	shalt  }
0x6b: {  	_ =	shalt  }
0x6c: {  	_ =	shalt  }
0x6d: {  	_ =	shalt  }
0x6e: {  	_ =	shalt  }
0x6f: {  	_ =	shalt  }
0x70: {  	_ =	shalt  }
0x71: {  	_ =	shalt  }
0x72: {  	_ =	shalt  }
0x73: {  	_ =	shalt  }
0x74: {  	_ =	shalt  }
0x75: {  	_ =	shalt  }
0x76: {  	_ =	shalt  }
0x77: {  	_ =	shalt  }
0x78: {  	_ =	shalt  }
0x79: {  	_ =	shalt  }
0x7a: {  	_ =	shalt  }
0x7b: {  	_ =	shalt  }
0x7c: {  	_ =	shalt  }
0x7d: {  	_ =	shalt  }
0x7e: {  	_ =	shalt  }
0x7f: {  	_ =	shalt  }
0x80: {  	_ =	shalt  }
0x81: {  	_ =	shalt  }
0x82: {  	_ =	shalt  }
0x83: {  	_ =	shalt  }
0x84: {  	_ =	shalt  }
0x85: {  	_ =	shalt  }
0x86: {  	_ =	shalt  }
0x87: {  	_ =	shalt  }
.Lfunc_end0:
.L_simem_size_0:
called_computation_lowered:
.L_overlay_start_0:
0x88: {  	s2 =	sld [smem:$0x3FD9]  }
0x89: {  	s3 =	sld [smem:$0x3FFE];
	_ =	sdelay $0x1  }
0x8a: {  	s1 =	srdreg.scid  }
0x8b: {  	s0 =	sand.u32 $0x1, s1  }
0x8c: {  	s18 =	sshll.u32 s0, $0xA;
	s2 =	sadd.s32 s3, s2  }
0x8d: {  	s2 =	sadd.s32 s2, s18  }
0x8e: {  	[smem:$0x3FC7] =	sst s2  }
0x8f: {  	_ = 	snop  }
0x90: {  	s2 =	sld [smem:$0x3FC9]  }
0x91: {  	s19 =	sld [smem:$0x3FD0];
	(tm) =	ssettm $0x1  }
0x92: {  	s4 =	sld [smem:$0x3FFB];
	_ =	sdelay $0x3  }
0x93: {  	_ =	strace s4  }
0x94: {  	s4 =	sld [smem:$0x3FFC];
	_ =	sdelay $0x3  }
0x95: {  	_ =	strace s4  }
0x96: {  	s4 =	sld [smem:$0x3FFD];
	_ =	sdelay $0x3  }
0x97: {  	_ =	strace s4  }
0x98: {  	_ =	strace $0x8FFFFFFF  }
0x99: {  	s20 =	sld [smem:$0x3FDB];
	_ =	sdelay $0x1  }
0x9a: {  	s5 =	simm.s32 $_scs_section_size  }
0x9b: {  	s6 =	simm.s32 $_size__tile_overlayer_lowered;
	s7 =	simm.s32 $_tile_overlayer_lowered  }
0x9c: {  	s23 =	simm.s32 $0x1BFF;
	s22 =	sshll.u32 s7, $0x1;
	s4 =	sadd.s32 s5, s20  }
0x9d: {  	s8 =	simm.s32 $0x0;
	s21 =	sshll.u32 s6, $0x1;
	s6 =	sadd.s32 s22, s4  }
0x9e: {  	[timem:s8], [sflag:s23] =	dma.local [hbm:s6], s21  }
0x9f: {  	_ =	swait.ge [sflag:s23], s21  }
0xa0: {  	s5 =	ssub.s32 $0x0, s21;
	[sflag:s23] =	ssyncset.done $0x0  }
0xa1: {  	[sflag:s23] =	ssyncadd.s32 s5;
	_ =	sdelay $0x1  }
0xa2: {  	s24 =	simm.s32 $0x1B8B  }
0xa3: {  	_ =	swait.ge [sflag:s24], $0x1  }
0xa4: {  	[sflag:s24] =	ssyncset.done $0x0  }
0xa5: {  	s25 =	simm.s32 $0x1B8E;
	[sflag:s24] =	ssyncadd.s32 $0xFFFFFFFF  }
0xa6: {  	s26 =	simm.s32 $execute0_lowered;
	[smem:$0x3FD2] =	sst s25  }
0xa7: {  	s5 =	sshll.u32 s26, $0x1;
	_ =	strace $0x80000046;
	[dreg:$0x1] =	wrdreg $0xFFFFFFFF  }
0xa8: {  	s28 =	simm.s32 $_size_execute0_lowered;
	s4 =	sadd.s32 s4, s5;
	[dreg:$0x0] =	wrdreg $0x0  }
0xa9: {  	s5 =	sshll.u32 s28, $0x1;
	[dreg:$0x2] =	wrdreg s4  }
0xaa: {  	[dreg:$0x3] =	wrdreg s5  }
0xab: {  	[dreg:$0x4] =	wrdreg $0xC0  }
0xac: {  	_ =	task [dreg:s8], $0x5FFFF  }
0xad: {  	[dreg:$0x1] =	wrdreg $0xFFFFFFFF  }
0xae: {  	[dreg:$0x0] =	wrdreg $0x60  }
0xaf: {  	[dreg:$0x2] =	wrdreg s2  }
0xb0: {  	[dreg:$0x3] =	wrdreg s19  }
0xb1: {  	[dreg:$0x4] =	wrdreg $0x9  }
0xb2: {  	_ =	task.clear_ibuf [dreg:s8], $0x5FFFF;
	_ =	strace $0x90000046  }
0xb3: {  	s29 =	simm.s32 $0x9;
	_ =	strace $0x80000048  }
0xb4: {  	_ =	swait.ge [sflag:s29], $0x1  }
0xb5: {  	[sflag:s29] =	ssyncadd.s32 $0xFFFFFFFF  }
0xb6: {  	_ =	strace $0x90000048  }
0xb7: {  	_ =	sfence  }
0xb8: {  	s30 =	sld [smem:$0x0];
	_ =	sdelay $0x2  }
0xb9: {  	s31 =	sshll.u32 s1, $0xD;
	s1 =	sshrl.u32 s1, $0x2  }
0xba: {  	s3 =	sand.u32 $0x4000, s31;
	s1 =	sadd.s32 s1, s30  }
0xbb: {  	s0 =	sor.u32 s3, s0;
	s1 =	sshll.u32 s1, $0x11  }
0xbc: {  	s0 =	sor.u32 s1, s0  }
0xbd: {  	s0 =	sadd.s32 $0x8F2B, s0  }
0xbe: {  	[sflag:s0] =	ssyncadd.remote.s32 $0x1  }
0xbf: {  	_ =	sfence.sel $0xFFFF  }
0xc0: {  	[dreg:$0x0] =	wrdreg $0xFFFFFFFF;
	(pc) =	sbr.abs _section_cstart, $3  }
0xc1: {  	[dreg:$0x1] =	wrdreg $0xFFFFFFFF  }
0xc2: {  	_ =	task.clear_ibuf [dreg:s8], $0x2FFFF;
	_ =	strace $0x9FFFFFFF  }
0xc3: {  	(tm) =	ssettm $0x7FFFFFFF  }
tec
execute0_lowered:
.L_overlay_start_1:
0x0: {  	(tag) =	ssettag $0x1  }
0x1: {  	s1 =	srdreg.scid  }
0x2: {  	s14 =	rddreg [dreg:$0x0];
	s0 =	stileid.u32;
	s17 =	sand.u32 $0x1, s1  }
0x3: {  	s15 =	rddreg [dreg:$0x1];
	s3 =	sshll.u32 s0, $0x10;
	s4 =	sshll.u32 s17, $0xF  }
0x4: {  	s2 =	simm.s32 $0x0;
	s1 =	rddreg [dreg:$0x2];
	s16 =	sor.u32 s4, s3  }
0x5: {  	[smem:$0x7FF] =	sst s2;
	s5 =	sor.u32 $0x100000, s16  }
0x6: {  	_ =	strace $0x80000047;
	s3 =	simm.s32 $0x1;
	s4 =	sadd.s32 s14, s5  }
0x7: {  	[tilespmem:s2], [sflag:$0x1] =	stream.linear.gather [hbm4b:s4+s2], $0x18000, $0x38;
	[tilespmem:$0x18000] =	vst v63  }
0x8: {  	_ =	swait.ge [sflag:s3], $0x18000  }
0x9: {  	[sflag:s3] =	ssyncset.done $0x0  }
0xa: {  	s5 =	sadd.s32 s15, s5;
	[sflag:s3] =	ssyncadd.s32 $0xFFFE8000  }
0xb: {  	[hbm4b:s5+s2] =	stream.linear.scatter [tilespmem:s2], [sflag:$0x1], $0x18000, $0x38;
	[tilespmem:$0x18000] =	vst v63  }
0xc: {  	_ =	swait.ge [sflag:s3], $0x18000  }
0xd: {  	s18 =	sadd.s32 s16, s15;
	[sflag:s3] =	ssyncset.done $0x0  }
0xe: {  	s6 =	sadd.s32 $0x300000, s18;
	[sflag:s3] =	ssyncadd.s32 $0xFFFE8000  }
0xf: {  	[hbm4b:s6+s2] =	stream.linear.scatter [tilespmem:s2], [sflag:$0x1], $0x18000, $0x38;
	[tilespmem:$0x18000] =	vst v63  }
0x10: {  	_ =	swait.ge [sflag:s3], $0x18000  }
0x11: {  	[sflag:s3] =	ssyncset.done $0x0  }
0x12: {  	s7 =	sadd.s32 $0x500000, s18;
	[sflag:s3] =	ssyncadd.s32 $0xFFFE8000  }
0x13: {  	[hbm4b:s7+s2] =	stream.linear.scatter [tilespmem:s2], [sflag:$0x1], $0x18000, $0x38;
	[tilespmem:$0x18000] =	vst v63  }
0x14: {  	_ =	swait.ge [sflag:s3], $0x18000  }
0x15: {  	[sflag:s3] =	ssyncset.done $0x0  }
0x16: {  	s8 =	sadd.s32 $0x700000, s18;
	[sflag:s3] =	ssyncadd.s32 $0xFFFE8000  }
0x17: {  	[hbm4b:s8+s2] =	stream.linear.scatter [tilespmem:s2], [sflag:$0x1], $0x18000, $0x38;
	[tilespmem:$0x18000] =	vst v63  }
0x18: {  	_ =	swait.ge [sflag:s3], $0x18000  }
0x19: {  	s10 =	sor.u32 $0x103000, s16;
	[sflag:s3] =	ssyncset.done $0x0  }
0x1a: {  	s9 =	sadd.s32 s14, s10;
	[sflag:s3] =	ssyncadd.s32 $0xFFFE8000  }
0x1b: {  	[tilespmem:s2], [sflag:$0x1] =	stream.linear.gather [hbm4b:s9+s2], $0x18000, $0x38;
	[tilespmem:$0x18000] =	vst v63  }
0x1c: {  	_ =	swait.ge [sflag:s3], $0x18000  }
0x1d: {  	[sflag:s3] =	ssyncset.done $0x0  }
0x1e: {  	s10 =	sadd.s32 s15, s10;
	[sflag:s3] =	ssyncadd.s32 $0xFFFE8000  }
0x1f: {  	[hbm4b:s10+s2] =	stream.linear.scatter [tilespmem:s2], [sflag:$0x1], $0x18000, $0x38;
	[tilespmem:$0x18000] =	vst v63  }
0x20: {  	_ =	swait.ge [sflag:s3], $0x18000  }
0x21: {  	[sflag:s3] =	ssyncset.done $0x0  }
0x22: {  	s11 =	sadd.s32 $0x303000, s18;
	[sflag:s3] =	ssyncadd.s32 $0xFFFE8000  }
0x23: {  	[hbm4b:s11+s2] =	stream.linear.scatter [tilespmem:s2], [sflag:$0x1], $0x18000, $0x38;
	[tilespmem:$0x18000] =	vst v63  }
0x24: {  	_ =	swait.ge [sflag:s3], $0x18000  }
0x25: {  	[sflag:s3] =	ssyncset.done $0x0  }
0x26: {  	s12 =	sadd.s32 $0x503000, s18;
	[sflag:s3] =	ssyncadd.s32 $0xFFFE8000  }
0x27: {  	[hbm4b:s12+s2] =	stream.linear.scatter [tilespmem:s2], [sflag:$0x1], $0x18000, $0x38;
	[tilespmem:$0x18000] =	vst v63  }
0x28: {  	_ =	swait.ge [sflag:s3], $0x18000  }
0x29: {  	[sflag:s3] =	ssyncset.done $0x0  }
0x2a: {  	s13 =	sadd.s32 $0x703000, s18;
	[sflag:s3] =	ssyncadd.s32 $0xFFFE8000  }
0x2b: {  	[hbm4b:s13+s2] =	stream.linear.scatter [tilespmem:s2], [sflag:$0x1], $0x18000, $0x38;
	[tilespmem:$0x18000] =	vst v63  }
0x2c: {  	_ =	swait.ge [sflag:s3], $0x18000  }
0x2d: {  	s16 =	sor.u32 $0x106000, s16;
	[sflag:s3] =	ssyncset.done $0x0  }
0x2e: {  	s14 =	sadd.s32 s14, s16;
	[sflag:s3] =	ssyncadd.s32 $0xFFFE8000  }
0x2f: {  	[tilespmem:s2], [sflag:$0x1] =	stream.linear.gather [hbm4b:s14+s2], $0x10000, $0x38;
	[tilespmem:$0x18000] =	vst v63  }
0x30: {  	_ =	swait.ge [sflag:s3], $0x10000  }
0x31: {  	[sflag:s3] =	ssyncset.done $0x0  }
0x32: {  	s15 =	sadd.s32 s15, s16;
	[sflag:s3] =	ssyncadd.s32 $0xFFFF0000  }
0x33: {  	[hbm4b:s15+s2] =	stream.linear.scatter [tilespmem:s2], [sflag:$0x1], $0x10000, $0x38;
	[tilespmem:$0x18000] =	vst v63  }
0x34: {  	_ =	swait.ge [sflag:s3], $0x10000  }
0x35: {  	[sflag:s3] =	ssyncset.done $0x0  }
0x36: {  	s19 =	ssub.s32 $0x2, s17;
	s16 =	sadd.s32 $0x306000, s18;
	[sflag:s3] =	ssyncadd.s32 $0xFFFF0000  }
0x37: {  	[hbm4b:s16+s2] =	stream.linear.scatter [tilespmem:s2], [sflag:$0x1], $0x10000, $0x38;
	[tilespmem:$0x18000] =	vst v63  }
0x38: {  	s20 =	sshrl.u32 s19, $0x1;
	_ =	swait.ge [sflag:s3], $0x10000  }
0x39: {  	s19 =	ssub.s32 s19, s20;
	[sflag:s3] =	ssyncset.done $0x0  }
0x3a: {  	s17 =	sadd.s32 $0x506000, s18;
	s19 =	smax.u32 s19, $0x1;
	[sflag:s3] =	ssyncadd.s32 $0xFFFF0000  }
0x3b: {  	[hbm4b:s17+s2] =	stream.linear.scatter [tilespmem:s2], [sflag:$0x1], $0x10000, $0x38;
	[tilespmem:$0x18000] =	vst v63  }
0x3c: {  	p0 =	sne.s32 s19, $0x1;
	_ =	swait.ge [sflag:s3], $0x10000  }
.Ltmp0:
0x3d: {  	[sflag:s3] =	ssyncset.done $0x0;
	(pc) =	sbr.rel @!p0 .LBB2_2-.Ltmp0, $4  }
0x3e: {  	s18 =	sadd.s32 $0x706000, s18;
	[sflag:s3] =	ssyncadd.s32 $0xFFFF0000  }
0x3f: {  	[hbm4b:s18+s2] =	stream.linear.scatter [tilespmem:s2], [sflag:$0x1], $0x10000, $0x38;
	[tilespmem:$0x18000] =	vst v63  }
0x40: {  	_ =	swait.ge [sflag:s3], $0x10000  }
0x41: {  	s19 =	sadd.s32 $0xFFFFFFFF, s19;
	[sflag:s3] =	ssyncset.done $0x0  }
.LBB2_1:
0x42: {  	p0 =	sne.s32 s19, $0x1;
	s19 =	sadd.s32 $0xFFFFFFFF, s19;
	[sflag:s3] =	ssyncadd.s32 $0xFFFF0000  }
0x43: {  	[tilespmem:s2], [sflag:$0x1] =	stream.linear.gather [hbm4b:s4+s2], $0x18000, $0x38;
	[tilespmem:$0x18000] =	vst v63  }
0x44: {  	_ =	swait.ge [sflag:s3], $0x18000  }
0x45: {  	[sflag:s3] =	ssyncset.done $0x0  }
0x46: {  	[sflag:s3] =	ssyncadd.s32 $0xFFFE8000  }
0x47: {  	[hbm4b:s5+s2] =	stream.linear.scatter [tilespmem:s2], [sflag:$0x1], $0x18000, $0x38;
	[tilespmem:$0x18000] =	vst v63  }
0x48: {  	_ =	swait.ge [sflag:s3], $0x18000  }
0x49: {  	[sflag:s3] =	ssyncset.done $0x0  }
0x4a: {  	[sflag:s3] =	ssyncadd.s32 $0xFFFE8000  }
0x4b: {  	[hbm4b:s6+s2] =	stream.linear.scatter [tilespmem:s2], [sflag:$0x1], $0x18000, $0x38;
	[tilespmem:$0x18000] =	vst v63  }
0x4c: {  	_ =	swait.ge [sflag:s3], $0x18000  }
0x4d: {  	[sflag:s3] =	ssyncset.done $0x0  }
0x4e: {  	[sflag:s3] =	ssyncadd.s32 $0xFFFE8000  }
0x4f: {  	[hbm4b:s7+s2] =	stream.linear.scatter [tilespmem:s2], [sflag:$0x1], $0x18000, $0x38;
	[tilespmem:$0x18000] =	vst v63  }
0x50: {  	_ =	swait.ge [sflag:s3], $0x18000  }
0x51: {  	[sflag:s3] =	ssyncset.done $0x0  }
0x52: {  	[sflag:s3] =	ssyncadd.s32 $0xFFFE8000  }
0x53: {  	[hbm4b:s8+s2] =	stream.linear.scatter [tilespmem:s2], [sflag:$0x1], $0x18000, $0x38;
	[tilespmem:$0x18000] =	vst v63  }
0x54: {  	_ =	swait.ge [sflag:s3], $0x18000  }
0x55: {  	[sflag:s3] =	ssyncset.done $0x0  }
0x56: {  	[sflag:s3] =	ssyncadd.s32 $0xFFFE8000  }
0x57: {  	[tilespmem:s2], [sflag:$0x1] =	stream.linear.gather [hbm4b:s9+s2], $0x18000, $0x38;
	[tilespmem:$0x18000] =	vst v63  }
0x58: {  	_ =	swait.ge [sflag:s3], $0x18000  }
0x59: {  	[sflag:s3] =	ssyncset.done $0x0  }
0x5a: {  	[sflag:s3] =	ssyncadd.s32 $0xFFFE8000  }
0x5b: {  	[hbm4b:s10+s2] =	stream.linear.scatter [tilespmem:s2], [sflag:$0x1], $0x18000, $0x38;
	[tilespmem:$0x18000] =	vst v63  }
0x5c: {  	_ =	swait.ge [sflag:s3], $0x18000  }
0x5d: {  	[sflag:s3] =	ssyncset.done $0x0  }
0x5e: {  	[sflag:s3] =	ssyncadd.s32 $0xFFFE8000  }
0x5f: {  	[hbm4b:s11+s2] =	stream.linear.scatter [tilespmem:s2], [sflag:$0x1], $0x18000, $0x38;
	[tilespmem:$0x18000] =	vst v63  }
0x60: {  	_ =	swait.ge [sflag:s3], $0x18000  }
0x61: {  	[sflag:s3] =	ssyncset.done $0x0  }
0x62: {  	[sflag:s3] =	ssyncadd.s32 $0xFFFE8000  }
0x63: {  	[hbm4b:s12+s2] =	stream.linear.scatter [tilespmem:s2], [sflag:$0x1], $0x18000, $0x38;
	[tilespmem:$0x18000] =	vst v63  }
0x64: {  	_ =	swait.ge [sflag:s3], $0x18000  }
0x65: {  	[sflag:s3] =	ssyncset.done $0x0  }
0x66: {  	[sflag:s3] =	ssyncadd.s32 $0xFFFE8000  }
0x67: {  	[hbm4b:s13+s2] =	stream.linear.scatter [tilespmem:s2], [sflag:$0x1], $0x18000, $0x38;
	[tilespmem:$0x18000] =	vst v63  }
0x68: {  	_ =	swait.ge [sflag:s3], $0x18000  }
0x69: {  	[sflag:s3] =	ssyncset.done $0x0  }
0x6a: {  	[sflag:s3] =	ssyncadd.s32 $0xFFFE8000  }
0x6b: {  	[tilespmem:s2], [sflag:$0x1] =	stream.linear.gather [hbm4b:s14+s2], $0x10000, $0x38;
	[tilespmem:$0x18000] =	vst v63  }
0x6c: {  	_ =	swait.ge [sflag:s3], $0x10000  }
0x6d: {  	[sflag:s3] =	ssyncset.done $0x0  }
0x6e: {  	[sflag:s3] =	ssyncadd.s32 $0xFFFF0000  }
0x6f: {  	[hbm4b:s15+s2] =	stream.linear.scatter [tilespmem:s2], [sflag:$0x1], $0x10000, $0x38;
	[tilespmem:$0x18000] =	vst v63  }
0x70: {  	_ =	swait.ge [sflag:s3], $0x10000  }
0x71: {  	[sflag:s3] =	ssyncset.done $0x0  }
0x72: {  	[sflag:s3] =	ssyncadd.s32 $0xFFFF0000  }
0x73: {  	[hbm4b:s16+s2] =	stream.linear.scatter [tilespmem:s2], [sflag:$0x1], $0x10000, $0x38;
	[tilespmem:$0x18000] =	vst v63  }
0x74: {  	_ =	swait.ge [sflag:s3], $0x10000  }
0x75: {  	[sflag:s3] =	ssyncset.done $0x0  }
0x76: {  	[sflag:s3] =	ssyncadd.s32 $0xFFFF0000  }
0x77: {  	[hbm4b:s17+s2] =	stream.linear.scatter [tilespmem:s2], [sflag:$0x1], $0x10000, $0x38;
	[tilespmem:$0x18000] =	vst v63  }
0x78: {  	_ =	swait.ge [sflag:s3], $0x10000  }
.Ltmp1:
0x79: {  	[sflag:s3] =	ssyncset.done $0x0;
	(pc) =	sbr.rel @p0 .LBB2_1-.Ltmp1, $4  }
0x7a: {  	[sflag:s3] =	ssyncadd.s32 $0xFFFF0000  }
0x7b: {  	[hbm4b:s18+s2] =	stream.linear.scatter [tilespmem:s2], [sflag:$0x1], $0x10000, $0x38;
	[tilespmem:$0x18000] =	vst v63  }
0x7c: {  	_ =	swait.ge [sflag:s3], $0x10000  }
0x7d: {  	[sflag:s3] =	ssyncset.done $0x0  }
.LBB2_2:
0x7e: {  	[sflag:s3] =	ssyncadd.s32 $0xFFFF0000  }
0x7f: {  	_ =	sfence.sel $0x180000  }
0x80: {  	[bflag:$0x0] =	sbarrier.arrive $0xFFFF  }
0x81: {  	p0 =	sne.s32 s0, $0x0;
	_ =	strace $0x90000047  }
0x82: {  	s0 =	sadd.s32 @!p0 $0x100000, s1;
	[bflag:$0x2] =	sbarrier.arrive $0xFFFF  }
0x83: {  	[sflag:s0] =	ssyncadd.tile.s32 @!p0 $0x1;
	_ =	shalt  }
.Lfunc_end2:
_tile_overlayer_lowered:
.L_overlay_start_2:
0x84: {  	(tag) =	ssettag $0x2  }
0x85: {  	s0 =	rddreg [dreg:$0x0];
	s2 =	stileid.u32  }
0x86: {  	s1 =	rddreg [dreg:$0x1];
	p0 =	sne.s32 s2, $0x0  }
0x87: {  	s3 =	rddreg [dreg:$0x2];
	[bflag:$0x3] =	sbarrier.arrive $0xFFFF;
	s2 =	simm.s32 @!p0 $0x1C01  }
0x88: {  	[timem:s3], [sflag:s2] =	dma.local @!p0 [hbm:s0], s1  }
0x89: {  	s0 =	simm.s32 @!p0 $0x1  }
0x8a: {  	_ =	swait.ge @!p0 [sflag:s0], s1  }
0x8b: {  	s1 =	ssub.s32 @!p0 $0x0, s1;
	[sflag:s0] =	ssyncset.done @!p0 $0x0  }
0x8c: {  	[sflag:s0] =	ssyncadd.s32 @!p0 s1  }
0x8d: {  	[bflag:$0x3] =	sbarrier.arrive $0xFFFF  }
0x8e: {  	_ =	shalt  }

</sc_bundles>
